<compile_context>
chip_gen: v7x
topology: tpu7x:2x2x1
jax: 0.10.2.dev20260603
libtpu: 0.0.44.dev20260713+nightly
codegen_flags: <defaults>
</compile_context>

<pallas_src>
import functools

import jax
import jax.numpy as jnp
from jax import lax
from jax.experimental import pallas as pl
from jax.experimental.pallas import tpu as pltpu
from jax.experimental.pallas import tpu_sc as plsc

_N = 10000
_E = 320000
_F = 128
_H = 64
_C = 10
_G = 64

_NC = 2
_NS = 16
_NW = _NC * _NS
_K = 128
_NCHUNK = 80
_EPW = _NCHUNK * _K
_E_PAD = _NW * _EPW
_N_ACC = 10240
_RPT = _N_ACC // _NS

_sc_mesh = plsc.VectorSubcoreMesh(core_axis_name="c", subcore_axis_name="s")


@functools.partial(
    pl.kernel,
    out_type=jax.ShapeDtypeStruct((_NC * _N_ACC, _H), jnp.float32),
    mesh=_sc_mesh,
    scratch_types=[
        pltpu.VMEM((_NCHUNK, _K), jnp.int32),
        pltpu.VMEM((_NCHUNK, _K), jnp.int32),
        [pltpu.VMEM((_K, _H), jnp.bfloat16) for _ in range(4)],
        pltpu.VMEM_SHARED((_N_ACC, _H), jnp.float32),
        [pltpu.SemaphoreType.DMA for _ in range(4)],
    ],
    compiler_params=pltpu.CompilerParams(use_tc_tiling_on_sc=False),
)
def _segsum_sc(z_hbm, src_hbm, dst_hbm, zero_hbm, out_hbm,
               src_v, dst_v, rows, acc_sh, sems):
    cid = lax.axis_index("c")
    sid = lax.axis_index("s")
    wid = sid * _NC + cid
    r0 = sid * _RPT
    pltpu.sync_copy(zero_hbm.at[pl.ds(r0, _RPT)], acc_sh.at[pl.ds(r0, _RPT)])
    pltpu.sync_copy(src_hbm.at[wid], src_v)
    pltpu.sync_copy(dst_hbm.at[wid], dst_v)
    plsc.subcore_barrier()

    def gather(j, k):
        pltpu.async_copy(z_hbm.at[src_v.at[j]], rows[k], sems[k])

    def gather_wait(j, k):
        pltpu.make_async_copy(z_hbm.at[src_v.at[j]], rows[k], sems[k]).wait()

    def scatter_add(j, k):
        pass

    for k in range(4):
        gather(k, k)

    def body(jj, carry):
        j0 = 4 * jj
        for k in range(4):
            gather_wait(j0 + k, k)
            scatter_add(j0 + k, k)
            gather(j0 + 4 + k, k)
        return carry

    lax.fori_loop(0, _NCHUNK // 4 - 1, body, 0)
    for k in range(4):
        gather_wait(_NCHUNK - 4 + k, k)
        scatter_add(_NCHUNK - 4 + k, k)
    plsc.subcore_barrier()
    pltpu.sync_copy(acc_sh.at[pl.ds(r0, _RPT)],
                    out_hbm.at[pl.ds(cid * _N_ACC + r0, _RPT)])


def _mm_body(x_ref, w_ref, o_ref):
    o_ref[...] = jnp.dot(x_ref[...], w_ref[...],
                         preferred_element_type=jnp.float32)


def _mid_body(z_ref, agg_ref, b1a_ref, w1b_ref, b1b_ref, w2a_ref, o_ref):
    agg = agg_ref[0:_N, :] + agg_ref[_N_ACC:_N_ACC + _N, :]
    a1 = jnp.maximum(z_ref[...] + agg + b1a_ref[...], 0.0)
    h1 = jnp.dot(a1, w1b_ref[...], preferred_element_type=jnp.float32)
    h1 = h1 + b1b_ref[...]
    o_ref[...] = jnp.dot(h1, w2a_ref[...], preferred_element_type=jnp.float32)


def _final_body(z_ref, agg_ref, b2a_ref, w2b_ref, b2b_ref, batch_ref,
                wf_ref, bf_ref, o_ref):
    agg = agg_ref[0:_N, :] + agg_ref[_N_ACC:_N_ACC + _N, :]
    a2 = jnp.maximum(z_ref[...] + agg + b2a_ref[...], 0.0)
    h2 = jnp.dot(a2, w2b_ref[...], preferred_element_type=jnp.float32)
    h2 = h2 + b2b_ref[...]
    gid = lax.broadcasted_iota(jnp.int32, (_G, _N), 0)
    pt = (batch_ref[...] == gid).astype(jnp.float32)
    pooled = jnp.dot(pt, h2, preferred_element_type=jnp.float32)
    counts = jnp.dot(pt, jnp.ones((_N, 1), jnp.float32),
                     preferred_element_type=jnp.float32)
    mean = pooled / jnp.maximum(counts, 1.0)
    o_ref[...] = jnp.dot(mean, wf_ref[...],
                         preferred_element_type=jnp.float32) + bf_ref[...]


def _tc_call(body, out_shape, *args):
    return pl.pallas_call(
        body, out_shape=jax.ShapeDtypeStruct(out_shape, jnp.float32))(*args)


@jax.jit
def kernel(x, edge_index, batch, W1a, b1a, W1b, b1b, W2a, b2a, W2b, b2b,
           Wf, bf):
    pad = _E_PAD - _E
    src = jnp.concatenate(
        [edge_index[0], jnp.zeros((pad,), jnp.int32)]).reshape(
            _NW, _NCHUNK, _K)
    dst = jnp.concatenate(
        [edge_index[1], jnp.full((pad,), _N_ACC - 1, jnp.int32)]).reshape(
            _NW, _NCHUNK, _K)
    zeros = jnp.zeros((_N_ACC, _H), jnp.float32)
    batch2d = batch.reshape(1, _N)

    z1 = _tc_call(_mm_body, (_N, _H), x, W1a)
    agg1 = _segsum_sc(z1.astype(jnp.bfloat16), src, dst, zeros)
    z2 = _tc_call(_mid_body, (_N, _H), z1, agg1, b1a.reshape(1, _H), W1b,
                  b1b.reshape(1, _H), W2a)
    agg2 = _segsum_sc(z2.astype(jnp.bfloat16), src, dst, zeros)
    out = _tc_call(_final_body, (_G, _C), z2, agg2, b2a.reshape(1, _H), W2b,
                   b2b.reshape(1, _H), batch2d, Wf, bf.reshape(1, _C))
    return out

# --- scband reference (transcript-rebuilt; emitter-appended) ---
"""Pipeline reference for scband-ginmodel-80281528697345 (READ-ONLY COPY).

The authoritative reference and input builder live on the scoring server;
editing this copy changes nothing except your own understanding.
"""

import jax, jax.numpy as jnp
import numpy as np

N = 10000
E = 320000
F = 128
H = 64
C = 10
G = 64  # number of graphs in the batch


def setup_inputs(seed: int = 0) -> dict:
    key = jax.random.key(seed)
    ks = jax.random.split(key, 14)
    x = jax.random.normal(ks[0], (N, F), dtype=jnp.float32)
    edge_index = jax.random.randint(ks[1], (2, E), 0, N, dtype=jnp.int32)
    batch = jnp.sort(jax.random.randint(ks[2], (N,), 0, G, dtype=jnp.int32))
    # conv1 MLP: Linear(F,H) -> ReLU -> Linear(H,H)
    W1a = jax.random.normal(ks[3], (F, H), dtype=jnp.float32) / np.sqrt(F)
    b1a = jnp.zeros((H,), dtype=jnp.float32)
    W1b = jax.random.normal(ks[4], (H, H), dtype=jnp.float32) / np.sqrt(H)
    b1b = jnp.zeros((H,), dtype=jnp.float32)
    # conv2 MLP: Linear(H,H) -> ReLU -> Linear(H,H)
    W2a = jax.random.normal(ks[5], (H, H), dtype=jnp.float32) / np.sqrt(H)
    b2a = jnp.zeros((H,), dtype=jnp.float32)
    W2b = jax.random.normal(ks[6], (H, H), dtype=jnp.float32) / np.sqrt(H)
    b2b = jnp.zeros((H,), dtype=jnp.float32)
    # fc: Linear(H, C)
    Wf = jax.random.normal(ks[7], (H, C), dtype=jnp.float32) / np.sqrt(H)
    bf = jnp.zeros((C,), dtype=jnp.float32)
    return {
        "x": x, "edge_index": edge_index, "batch": batch,
        "W1a": W1a, "b1a": b1a, "W1b": W1b, "b1b": b1b,
        "W2a": W2a, "b2a": b2a, "W2b": W2b, "b2b": b2b,
        "Wf": Wf, "bf": bf,
    }


def _gin_conv(x, edge_index, Wa, ba, Wb, bb, eps=0.0):
    # PyG GINConv: out = MLP((1 + eps) * x + sum_{j in N(i)} x_j)
    src = edge_index[0]
    dst = edge_index[1]
    msgs = jnp.take(x, src, axis=0)                      # gather (SparseCore)
    agg = jax.ops.segment_sum(msgs, dst, num_segments=N) # scatter-add (SparseCore)
    h = (1.0 + eps) * x + agg
    h = jnp.maximum(h @ Wa + ba, 0.0)
    h = h @ Wb + bb
    return h


def _global_mean_pool(x, batch, num_graphs):
    sums = jax.ops.segment_sum(x, batch, num_segments=num_graphs)
    counts = jax.ops.segment_sum(jnp.ones((x.shape[0],), dtype=x.dtype), batch, num_segments=num_graphs)
    return sums / jnp.maximum(counts, 1.0)[:, None]


def reference(x, edge_index, batch, W1a, b1a, W1b, b1b, W2a, b2a, W2b, b2b, Wf, bf):
    h = _gin_conv(x, edge_index, W1a, b1a, W1b, b1b)
    h = _gin_conv(h, edge_index, W2a, b2a, W2b, b2b)
    pooled = _global_mean_pool(h, batch, G)
    out = pooled @ Wf + bf
    return out

if __name__ == "__main__":
    import jax
    _d = setup_inputs()
    print(jax.jit(kernel)(*tuple(_d.values())))

</pallas_src>

<mosaic_0001>
#map = affine_map<(d0, d1) -> (0, 0)>
#map1 = affine_map<(d0, d1) -> (0, 0, 0)>
module attributes {stable_mosaic.version = 14 : i64} {
  func.func @_segsum_sc(%arg0: i32, %arg1: i32, %arg2: memref<10000x64xbf16, #tpu.memory_space<hbm>>, %arg3: memref<32x80x128xi32, #tpu.memory_space<hbm>>, %arg4: memref<32x80x128xi32, #tpu.memory_space<hbm>>, %arg5: memref<10240x64xf32, #tpu.memory_space<hbm>>, %arg6: memref<20480x64xf32, #tpu.memory_space<hbm>>, %arg7: memref<80x128xi32, #tpu.memory_space<vmem>>, %arg8: memref<80x128xi32, #tpu.memory_space<vmem>>, %arg9: memref<128x64xbf16, #tpu.memory_space<vmem>>, %arg10: memref<128x64xbf16, #tpu.memory_space<vmem>>, %arg11: memref<128x64xbf16, #tpu.memory_space<vmem>>, %arg12: memref<128x64xbf16, #tpu.memory_space<vmem>>, %arg13: memref<10240x64xf32, #tpu.memory_space<vmem_shared>>, %arg14: memref<!tpu.dma_semaphore, #tpu.memory_space<semaphore_mem>>, %arg15: memref<!tpu.dma_semaphore, #tpu.memory_space<semaphore_mem>>, %arg16: memref<!tpu.dma_semaphore, #tpu.memory_space<semaphore_mem>>, %arg17: memref<!tpu.dma_semaphore, #tpu.memory_space<semaphore_mem>>) attributes {dimension_semantics = [#tpu.dimension_semantics<core_parallel>, #tpu.dimension_semantics<subcore_parallel>], iteration_bounds = array<i64: 2, 16>, scalar_prefetch = 0 : i64, scratch_operands = 11 : i64, tpu.core_type = #tpu.core_type<sc_vector_subcore>, window_params = [{transform_indices = #map}, {transform_indices = #map1}, {transform_indices = #map1}, {transform_indices = #map}, {transform_indices = #map}]} {
    %mul3A = arith.constant 2 : i32
    %mul3A_0 = arith.muli %arg1, %mul3A : i32
    %add3A = arith.addi %mul3A_0, %arg0 : i32
    %mul3A_1 = arith.constant 640 : i32
    %mul3A_2 = arith.muli %arg1, %mul3A_1 : i32
    "tpu.region"() ({
      %run_scoped3A = tpu.sem_alloc : memref<!tpu.dma_semaphore, #tpu.memory_space<semaphore_mem>>
      %dma_start3A_66 = arith.constant 0 : i32
      %dma_start3A_67 = tpu.memref_slice %arg13[%mul3A_2, %dma_start3A_66] : memref<10240x64xf32, #tpu.memory_space<vmem_shared>> -> memref<640x64xf32, #tpu.memory_space<vmem_shared>>
      %dma_start3A_68 = arith.constant 0 : i32
      %dma_start3A_69 = tpu.memref_slice %arg5[%mul3A_2, %dma_start3A_68] : memref<10240x64xf32, #tpu.memory_space<hbm>> -> memref<640x64xf32, #tpu.memory_space<hbm>>
      tpu.enqueue_dma source(%dma_start3A_69 : memref<640x64xf32, #tpu.memory_space<hbm>>) target(%dma_start3A_67 : memref<640x64xf32, #tpu.memory_space<vmem_shared>>) target_semaphore(%run_scoped3A : memref<!tpu.dma_semaphore, #tpu.memory_space<semaphore_mem>>)
      %dma_wait3A_70 = arith.constant 0 : i32
      %dma_wait3A_71 = tpu.memref_slice %arg13[%mul3A_2, %dma_wait3A_70] : memref<10240x64xf32, #tpu.memory_space<vmem_shared>> -> memref<640x64xf32, #tpu.memory_space<vmem_shared>>
      %dma_wait3A_72 = arith.constant 0 : i32
      %dma_wait3A_73 = tpu.memref_slice %arg5[%mul3A_2, %dma_wait3A_72] : memref<10240x64xf32, #tpu.memory_space<hbm>> -> memref<640x64xf32, #tpu.memory_space<hbm>>
      tpu.wait_dma2 semaphore(%run_scoped3A : memref<!tpu.dma_semaphore, #tpu.memory_space<semaphore_mem>>) src(%dma_wait3A_73 : memref<640x64xf32, #tpu.memory_space<hbm>>) dst(%dma_wait3A_71 : memref<640x64xf32, #tpu.memory_space<vmem_shared>>)
      tpu.yield
    }) : () -> ()
    "tpu.region"() ({
      %run_scoped3A = tpu.sem_alloc : memref<!tpu.dma_semaphore, #tpu.memory_space<semaphore_mem>>
      %dma_start3A_66 = arith.constant 0 : i32
      %dma_start3A_67 = arith.constant 0 : i32
      %dma_start3A_68 = tpu.memref_slice %arg3[%add3A, %dma_start3A_66, %dma_start3A_67] : memref<32x80x128xi32, #tpu.memory_space<hbm>> -> memref<1x80x128xi32, #tpu.memory_space<hbm>>
      %dma_start3A_69 = tpu.memref_squeeze %dma_start3A_68 : memref<1x80x128xi32, #tpu.memory_space<hbm>> -> memref<80x128xi32, #tpu.memory_space<hbm>>
      %dma_start3A_70 = arith.constant 0 : i32
      %dma_start3A_71 = arith.constant 0 : i32
      %dma_start3A_72 = tpu.memref_slice %arg3[%add3A, %dma_start3A_70, %dma_start3A_71] : memref<32x80x128xi32, #tpu.memory_space<hbm>> -> memref<1x80x128xi32, #tpu.memory_space<hbm>>
      %dma_start3A_73 = tpu.memref_squeeze %dma_start3A_72 : memref<1x80x128xi32, #tpu.memory_space<hbm>> -> memref<80x128xi32, #tpu.memory_space<hbm>>
      tpu.enqueue_dma source(%dma_start3A_73 : memref<80x128xi32, #tpu.memory_space<hbm>>) target(%arg7 : memref<80x128xi32, #tpu.memory_space<vmem>>) target_semaphore(%run_scoped3A : memref<!tpu.dma_semaphore, #tpu.memory_space<semaphore_mem>>)
      %dma_wait3A_74 = arith.constant 0 : i32
      %dma_wait3A_75 = arith.constant 0 : i32
      %dma_wait3A_76 = tpu.memref_slice %arg3[%add3A, %dma_wait3A_74, %dma_wait3A_75] : memref<32x80x128xi32, #tpu.memory_space<hbm>> -> memref<1x80x128xi32, #tpu.memory_space<hbm>>
      %dma_wait3A_77 = tpu.memref_squeeze %dma_wait3A_76 : memref<1x80x128xi32, #tpu.memory_space<hbm>> -> memref<80x128xi32, #tpu.memory_space<hbm>>
      %dma_wait3A_78 = arith.constant 0 : i32
      %dma_wait3A_79 = arith.constant 0 : i32
      %dma_wait3A_80 = tpu.memref_slice %arg3[%add3A, %dma_wait3A_78, %dma_wait3A_79] : memref<32x80x128xi32, #tpu.memory_space<hbm>> -> memref<1x80x128xi32, #tpu.memory_space<hbm>>
      %dma_wait3A_81 = tpu.memref_squeeze %dma_wait3A_80 : memref<1x80x128xi32, #tpu.memory_space<hbm>> -> memref<80x128xi32, #tpu.memory_space<hbm>>
      tpu.wait_dma2 semaphore(%run_scoped3A : memref<!tpu.dma_semaphore, #tpu.memory_space<semaphore_mem>>) src(%dma_wait3A_81 : memref<80x128xi32, #tpu.memory_space<hbm>>) dst(%arg7 : memref<80x128xi32, #tpu.memory_space<vmem>>)
      tpu.yield
    }) : () -> ()
    "tpu.region"() ({
      %run_scoped3A = tpu.sem_alloc : memref<!tpu.dma_semaphore, #tpu.memory_space<semaphore_mem>>
      %dma_start3A_66 = arith.constant 0 : i32
      %dma_start3A_67 = arith.constant 0 : i32
      %dma_start3A_68 = tpu.memref_slice %arg4[%add3A, %dma_start3A_66, %dma_start3A_67] : memref<32x80x128xi32, #tpu.memory_space<hbm>> -> memref<1x80x128xi32, #tpu.memory_space<hbm>>
      %dma_start3A_69 = tpu.memref_squeeze %dma_start3A_68 : memref<1x80x128xi32, #tpu.memory_space<hbm>> -> memref<80x128xi32, #tpu.memory_space<hbm>>
      %dma_start3A_70 = arith.constant 0 : i32
      %dma_start3A_71 = arith.constant 0 : i32
      %dma_start3A_72 = tpu.memref_slice %arg4[%add3A, %dma_start3A_70, %dma_start3A_71] : memref<32x80x128xi32, #tpu.memory_space<hbm>> -> memref<1x80x128xi32, #tpu.memory_space<hbm>>
      %dma_start3A_73 = tpu.memref_squeeze %dma_start3A_72 : memref<1x80x128xi32, #tpu.memory_space<hbm>> -> memref<80x128xi32, #tpu.memory_space<hbm>>
      tpu.enqueue_dma source(%dma_start3A_73 : memref<80x128xi32, #tpu.memory_space<hbm>>) target(%arg8 : memref<80x128xi32, #tpu.memory_space<vmem>>) target_semaphore(%run_scoped3A : memref<!tpu.dma_semaphore, #tpu.memory_space<semaphore_mem>>)
      %dma_wait3A_74 = arith.constant 0 : i32
      %dma_wait3A_75 = arith.constant 0 : i32
      %dma_wait3A_76 = tpu.memref_slice %arg4[%add3A, %dma_wait3A_74, %dma_wait3A_75] : memref<32x80x128xi32, #tpu.memory_space<hbm>> -> memref<1x80x128xi32, #tpu.memory_space<hbm>>
      %dma_wait3A_77 = tpu.memref_squeeze %dma_wait3A_76 : memref<1x80x128xi32, #tpu.memory_space<hbm>> -> memref<80x128xi32, #tpu.memory_space<hbm>>
      %dma_wait3A_78 = arith.constant 0 : i32
      %dma_wait3A_79 = arith.constant 0 : i32
      %dma_wait3A_80 = tpu.memref_slice %arg4[%add3A, %dma_wait3A_78, %dma_wait3A_79] : memref<32x80x128xi32, #tpu.memory_space<hbm>> -> memref<1x80x128xi32, #tpu.memory_space<hbm>>
      %dma_wait3A_81 = tpu.memref_squeeze %dma_wait3A_80 : memref<1x80x128xi32, #tpu.memory_space<hbm>> -> memref<80x128xi32, #tpu.memory_space<hbm>>
      tpu.wait_dma2 semaphore(%run_scoped3A : memref<!tpu.dma_semaphore, #tpu.memory_space<semaphore_mem>>) src(%dma_wait3A_81 : memref<80x128xi32, #tpu.memory_space<hbm>>) dst(%arg8 : memref<80x128xi32, #tpu.memory_space<vmem>>)
      tpu.yield
    }) : () -> ()
    %barrier3A = arith.constant 0 : index
    tpu.barrier barrier_id(%barrier3A)
    %dma_start3A = arith.constant 0 : i32
    %dma_start3A_3 = arith.constant 0 : i32
    %dma_start3A_4 = tpu.memref_slice %arg7[%dma_start3A, %dma_start3A_3] : memref<80x128xi32, #tpu.memory_space<vmem>> -> memref<1x128xi32, #tpu.memory_space<vmem>>
    %dma_start3A_5 = tpu.memref_squeeze %dma_start3A_4 : memref<1x128xi32, #tpu.memory_space<vmem>> -> memref<128xi32, #tpu.memory_space<vmem>>
    %dma_start3A_6 = arith.constant 0 : i32
    %dma_start3A_7 = arith.constant 0 : i32
    %dma_start3A_8 = tpu.memref_slice %arg2[%dma_start3A_6, %dma_start3A_7] : memref<10000x64xbf16, #tpu.memory_space<hbm>> -> memref<10000x64xbf16, #tpu.memory_space<hbm>>
    tpu.enqueue_indirect_dma source(%dma_start3A_8 : memref<10000x64xbf16, #tpu.memory_space<hbm>>) target(%arg9 : memref<128x64xbf16, #tpu.memory_space<vmem>>) offsets(%dma_start3A_5 : memref<128xi32, #tpu.memory_space<vmem>>) semaphore(%arg14 : memref<!tpu.dma_semaphore, #tpu.memory_space<semaphore_mem>>)
    %dma_start3A_9 = arith.constant 1 : i32
    %dma_start3A_10 = arith.constant 0 : i32
    %dma_start3A_11 = tpu.memref_slice %arg7[%dma_start3A_9, %dma_start3A_10] : memref<80x128xi32, #tpu.memory_space<vmem>> -> memref<1x128xi32, #tpu.memory_space<vmem>>
    %dma_start3A_12 = tpu.memref_squeeze %dma_start3A_11 : memref<1x128xi32, #tpu.memory_space<vmem>> -> memref<128xi32, #tpu.memory_space<vmem>>
    %dma_start3A_13 = arith.constant 0 : i32
    %dma_start3A_14 = arith.constant 0 : i32
    %dma_start3A_15 = tpu.memref_slice %arg2[%dma_start3A_13, %dma_start3A_14] : memref<10000x64xbf16, #tpu.memory_space<hbm>> -> memref<10000x64xbf16, #tpu.memory_space<hbm>>
    tpu.enqueue_indirect_dma source(%dma_start3A_15 : memref<10000x64xbf16, #tpu.memory_space<hbm>>) target(%arg10 : memref<128x64xbf16, #tpu.memory_space<vmem>>) offsets(%dma_start3A_12 : memref<128xi32, #tpu.memory_space<vmem>>) semaphore(%arg15 : memref<!tpu.dma_semaphore, #tpu.memory_space<semaphore_mem>>)
    %dma_start3A_16 = arith.constant 2 : i32
    %dma_start3A_17 = arith.constant 0 : i32
    %dma_start3A_18 = tpu.memref_slice %arg7[%dma_start3A_16, %dma_start3A_17] : memref<80x128xi32, #tpu.memory_space<vmem>> -> memref<1x128xi32, #tpu.memory_space<vmem>>
    %dma_start3A_19 = tpu.memref_squeeze %dma_start3A_18 : memref<1x128xi32, #tpu.memory_space<vmem>> -> memref<128xi32, #tpu.memory_space<vmem>>
    %dma_start3A_20 = arith.constant 0 : i32
    %dma_start3A_21 = arith.constant 0 : i32
    %dma_start3A_22 = tpu.memref_slice %arg2[%dma_start3A_20, %dma_start3A_21] : memref<10000x64xbf16, #tpu.memory_space<hbm>> -> memref<10000x64xbf16, #tpu.memory_space<hbm>>
    tpu.enqueue_indirect_dma source(%dma_start3A_22 : memref<10000x64xbf16, #tpu.memory_space<hbm>>) target(%arg11 : memref<128x64xbf16, #tpu.memory_space<vmem>>) offsets(%dma_start3A_19 : memref<128xi32, #tpu.memory_space<vmem>>) semaphore(%arg16 : memref<!tpu.dma_semaphore, #tpu.memory_space<semaphore_mem>>)
    %dma_start3A_23 = arith.constant 3 : i32
    %dma_start3A_24 = arith.constant 0 : i32
    %dma_start3A_25 = tpu.memref_slice %arg7[%dma_start3A_23, %dma_start3A_24] : memref<80x128xi32, #tpu.memory_space<vmem>> -> memref<1x128xi32, #tpu.memory_space<vmem>>
    %dma_start3A_26 = tpu.memref_squeeze %dma_start3A_25 : memref<1x128xi32, #tpu.memory_space<vmem>> -> memref<128xi32, #tpu.memory_space<vmem>>
    %dma_start3A_27 = arith.constant 0 : i32
    %dma_start3A_28 = arith.constant 0 : i32
    %dma_start3A_29 = tpu.memref_slice %arg2[%dma_start3A_27, %dma_start3A_28] : memref<10000x64xbf16, #tpu.memory_space<hbm>> -> memref<10000x64xbf16, #tpu.memory_space<hbm>>
    tpu.enqueue_indirect_dma source(%dma_start3A_29 : memref<10000x64xbf16, #tpu.memory_space<hbm>>) target(%arg12 : memref<128x64xbf16, #tpu.memory_space<vmem>>) offsets(%dma_start3A_26 : memref<128xi32, #tpu.memory_space<vmem>>) semaphore(%arg17 : memref<!tpu.dma_semaphore, #tpu.memory_space<semaphore_mem>>)
    %scan3A = arith.constant 0 : i32
    %scan3A_30 = arith.constant 0 : i32
    %scan3A_31 = arith.constant 19 : i32
    %scan3A_32 = arith.addi %scan3A_30, %scan3A_31 : i32
    %scan3A_33 = arith.constant 1 : i32
    scf.for %scan3A_66 = %scan3A_30 to %scan3A_32 step %scan3A_33  : i32 {
      %mul3A_67 = arith.constant 4 : i32
      %mul3A_68 = arith.muli %mul3A_67, %scan3A_66 : i32
      %add3A_69 = arith.constant 0 : i32
      %add3A_70 = arith.addi %mul3A_68, %add3A_69 : i32
      %dma_wait3A_71 = arith.constant 0 : i32
      %dma_wait3A_72 = tpu.memref_slice %arg7[%add3A_70, %dma_wait3A_71] : memref<80x128xi32, #tpu.memory_space<vmem>> -> memref<1x128xi32, #tpu.memory_space<vmem>>
      %dma_wait3A_73 = tpu.memref_squeeze %dma_wait3A_72 : memref<1x128xi32, #tpu.memory_space<vmem>> -> memref<128xi32, #tpu.memory_space<vmem>>
      %dma_wait3A_74 = arith.constant 0 : i32
      %dma_wait3A_75 = arith.constant 0 : i32
      %dma_wait3A_76 = tpu.memref_slice %arg2[%dma_wait3A_74, %dma_wait3A_75] : memref<10000x64xbf16, #tpu.memory_space<hbm>> -> memref<10000x64xbf16, #tpu.memory_space<hbm>>
      tpu.wait_indirect_dma semaphore(%arg14 : memref<!tpu.dma_semaphore, #tpu.memory_space<semaphore_mem>>) src(%dma_wait3A_76 : memref<10000x64xbf16, #tpu.memory_space<hbm>>) dst(%arg9 : memref<128x64xbf16, #tpu.memory_space<vmem>>)
      %add3A_77 = arith.constant 0 : i32
      %add3A_78 = arith.addi %mul3A_68, %add3A_77 : i32
      %add3A_79 = arith.constant 4 : i32
      %add3A_80 = arith.addi %mul3A_68, %add3A_79 : i32
      %add3A_81 = arith.constant 0 : i32
      %add3A_82 = arith.addi %add3A_80, %add3A_81 : i32
      %dma_start3A_83 = arith.constant 0 : i32
      %dma_start3A_84 = tpu.memref_slice %arg7[%add3A_82, %dma_start3A_83] : memref<80x128xi32, #tpu.memory_space<vmem>> -> memref<1x128xi32, #tpu.memory_space<vmem>>
      %dma_start3A_85 = tpu.memref_squeeze %dma_start3A_84 : memref<1x128xi32, #tpu.memory_space<vmem>> -> memref<128xi32, #tpu.memory_space<vmem>>
      %dma_start3A_86 = arith.constant 0 : i32
      %dma_start3A_87 = arith.constant 0 : i32
      %dma_start3A_88 = tpu.memref_slice %arg2[%dma_start3A_86, %dma_start3A_87] : memref<10000x64xbf16, #tpu.memory_space<hbm>> -> memref<10000x64xbf16, #tpu.memory_space<hbm>>
      tpu.enqueue_indirect_dma source(%dma_start3A_88 : memref<10000x64xbf16, #tpu.memory_space<hbm>>) target(%arg9 : memref<128x64xbf16, #tpu.memory_space<vmem>>) offsets(%dma_start3A_85 : memref<128xi32, #tpu.memory_space<vmem>>) semaphore(%arg14 : memref<!tpu.dma_semaphore, #tpu.memory_space<semaphore_mem>>)
      %add3A_89 = arith.constant 1 : i32
      %add3A_90 = arith.addi %mul3A_68, %add3A_89 : i32
      %dma_wait3A_91 = arith.constant 0 : i32
      %dma_wait3A_92 = tpu.memref_slice %arg7[%add3A_90, %dma_wait3A_91] : memref<80x128xi32, #tpu.memory_space<vmem>> -> memref<1x128xi32, #tpu.memory_space<vmem>>
      %dma_wait3A_93 = tpu.memref_squeeze %dma_wait3A_92 : memref<1x128xi32, #tpu.memory_space<vmem>> -> memref<128xi32, #tpu.memory_space<vmem>>
      %dma_wait3A_94 = arith.constant 0 : i32
      %dma_wait3A_95 = arith.constant 0 : i32
      %dma_wait3A_96 = tpu.memref_slice %arg2[%dma_wait3A_94, %dma_wait3A_95] : memref<10000x64xbf16, #tpu.memory_space<hbm>> -> memref<10000x64xbf16, #tpu.memory_space<hbm>>
      tpu.wait_indirect_dma semaphore(%arg15 : memref<!tpu.dma_semaphore, #tpu.memory_space<semaphore_mem>>) src(%dma_wait3A_96 : memref<10000x64xbf16, #tpu.memory_space<hbm>>) dst(%arg10 : memref<128x64xbf16, #tpu.memory_space<vmem>>)
      %add3A_97 = arith.constant 1 : i32
      %add3A_98 = arith.addi %mul3A_68, %add3A_97 : i32
      %add3A_99 = arith.constant 4 : i32
      %add3A_100 = arith.addi %mul3A_68, %add3A_99 : i32
      %add3A_101 = arith.constant 1 : i32
      %add3A_102 = arith.addi %add3A_100, %add3A_101 : i32
      %dma_start3A_103 = arith.constant 0 : i32
      %dma_start3A_104 = tpu.memref_slice %arg7[%add3A_102, %dma_start3A_103] : memref<80x128xi32, #tpu.memory_space<vmem>> -> memref<1x128xi32, #tpu.memory_space<vmem>>
      %dma_start3A_105 = tpu.memref_squeeze %dma_start3A_104 : memref<1x128xi32, #tpu.memory_space<vmem>> -> memref<128xi32, #tpu.memory_space<vmem>>
      %dma_start3A_106 = arith.constant 0 : i32
      %dma_start3A_107 = arith.constant 0 : i32
      %dma_start3A_108 = tpu.memref_slice %arg2[%dma_start3A_106, %dma_start3A_107] : memref<10000x64xbf16, #tpu.memory_space<hbm>> -> memref<10000x64xbf16, #tpu.memory_space<hbm>>
      tpu.enqueue_indirect_dma source(%dma_start3A_108 : memref<10000x64xbf16, #tpu.memory_space<hbm>>) target(%arg10 : memref<128x64xbf16, #tpu.memory_space<vmem>>) offsets(%dma_start3A_105 : memref<128xi32, #tpu.memory_space<vmem>>) semaphore(%arg15 : memref<!tpu.dma_semaphore, #tpu.memory_space<semaphore_mem>>)
      %add3A_109 = arith.constant 2 : i32
      %add3A_110 = arith.addi %mul3A_68, %add3A_109 : i32
      %dma_wait3A_111 = arith.constant 0 : i32
      %dma_wait3A_112 = tpu.memref_slice %arg7[%add3A_110, %dma_wait3A_111] : memref<80x128xi32, #tpu.memory_space<vmem>> -> memref<1x128xi32, #tpu.memory_space<vmem>>
      %dma_wait3A_113 = tpu.memref_squeeze %dma_wait3A_112 : memref<1x128xi32, #tpu.memory_space<vmem>> -> memref<128xi32, #tpu.memory_space<vmem>>
      %dma_wait3A_114 = arith.constant 0 : i32
      %dma_wait3A_115 = arith.constant 0 : i32
      %dma_wait3A_116 = tpu.memref_slice %arg2[%dma_wait3A_114, %dma_wait3A_115] : memref<10000x64xbf16, #tpu.memory_space<hbm>> -> memref<10000x64xbf16, #tpu.memory_space<hbm>>
      tpu.wait_indirect_dma semaphore(%arg16 : memref<!tpu.dma_semaphore, #tpu.memory_space<semaphore_mem>>) src(%dma_wait3A_116 : memref<10000x64xbf16, #tpu.memory_space<hbm>>) dst(%arg11 : memref<128x64xbf16, #tpu.memory_space<vmem>>)
      %add3A_117 = arith.constant 2 : i32
      %add3A_118 = arith.addi %mul3A_68, %add3A_117 : i32
      %add3A_119 = arith.constant 4 : i32
      %add3A_120 = arith.addi %mul3A_68, %add3A_119 : i32
      %add3A_121 = arith.constant 2 : i32
      %add3A_122 = arith.addi %add3A_120, %add3A_121 : i32
      %dma_start3A_123 = arith.constant 0 : i32
      %dma_start3A_124 = tpu.memref_slice %arg7[%add3A_122, %dma_start3A_123] : memref<80x128xi32, #tpu.memory_space<vmem>> -> memref<1x128xi32, #tpu.memory_space<vmem>>
      %dma_start3A_125 = tpu.memref_squeeze %dma_start3A_124 : memref<1x128xi32, #tpu.memory_space<vmem>> -> memref<128xi32, #tpu.memory_space<vmem>>
      %dma_start3A_126 = arith.constant 0 : i32
      %dma_start3A_127 = arith.constant 0 : i32
      %dma_start3A_128 = tpu.memref_slice %arg2[%dma_start3A_126, %dma_start3A_127] : memref<10000x64xbf16, #tpu.memory_space<hbm>> -> memref<10000x64xbf16, #tpu.memory_space<hbm>>
      tpu.enqueue_indirect_dma source(%dma_start3A_128 : memref<10000x64xbf16, #tpu.memory_space<hbm>>) target(%arg11 : memref<128x64xbf16, #tpu.memory_space<vmem>>) offsets(%dma_start3A_125 : memref<128xi32, #tpu.memory_space<vmem>>) semaphore(%arg16 : memref<!tpu.dma_semaphore, #tpu.memory_space<semaphore_mem>>)
      %add3A_129 = arith.constant 3 : i32
      %add3A_130 = arith.addi %mul3A_68, %add3A_129 : i32
      %dma_wait3A_131 = arith.constant 0 : i32
      %dma_wait3A_132 = tpu.memref_slice %arg7[%add3A_130, %dma_wait3A_131] : memref<80x128xi32, #tpu.memory_space<vmem>> -> memref<1x128xi32, #tpu.memory_space<vmem>>
      %dma_wait3A_133 = tpu.memref_squeeze %dma_wait3A_132 : memref<1x128xi32, #tpu.memory_space<vmem>> -> memref<128xi32, #tpu.memory_space<vmem>>
      %dma_wait3A_134 = arith.constant 0 : i32
      %dma_wait3A_135 = arith.constant 0 : i32
      %dma_wait3A_136 = tpu.memref_slice %arg2[%dma_wait3A_134, %dma_wait3A_135] : memref<10000x64xbf16, #tpu.memory_space<hbm>> -> memref<10000x64xbf16, #tpu.memory_space<hbm>>
      tpu.wait_indirect_dma semaphore(%arg17 : memref<!tpu.dma_semaphore, #tpu.memory_space<semaphore_mem>>) src(%dma_wait3A_136 : memref<10000x64xbf16, #tpu.memory_space<hbm>>) dst(%arg12 : memref<128x64xbf16, #tpu.memory_space<vmem>>)
      %add3A_137 = arith.constant 3 : i32
      %add3A_138 = arith.addi %mul3A_68, %add3A_137 : i32
      %add3A_139 = arith.constant 4 : i32
      %add3A_140 = arith.addi %mul3A_68, %add3A_139 : i32
      %add3A_141 = arith.constant 3 : i32
      %add3A_142 = arith.addi %add3A_140, %add3A_141 : i32
      %dma_start3A_143 = arith.constant 0 : i32
      %dma_start3A_144 = tpu.memref_slice %arg7[%add3A_142, %dma_start3A_143] : memref<80x128xi32, #tpu.memory_space<vmem>> -> memref<1x128xi32, #tpu.memory_space<vmem>>
      %dma_start3A_145 = tpu.memref_squeeze %dma_start3A_144 : memref<1x128xi32, #tpu.memory_space<vmem>> -> memref<128xi32, #tpu.memory_space<vmem>>
      %dma_start3A_146 = arith.constant 0 : i32
      %dma_start3A_147 = arith.constant 0 : i32
      %dma_start3A_148 = tpu.memref_slice %arg2[%dma_start3A_146, %dma_start3A_147] : memref<10000x64xbf16, #tpu.memory_space<hbm>> -> memref<10000x64xbf16, #tpu.memory_space<hbm>>
      tpu.enqueue_indirect_dma source(%dma_start3A_148 : memref<10000x64xbf16, #tpu.memory_space<hbm>>) target(%arg12 : memref<128x64xbf16, #tpu.memory_space<vmem>>) offsets(%dma_start3A_145 : memref<128xi32, #tpu.memory_space<vmem>>) semaphore(%arg17 : memref<!tpu.dma_semaphore, #tpu.memory_space<semaphore_mem>>)
    }
    %scan3A_34 = arith.constant 19 : i32
    %dma_wait3A = arith.constant 76 : i32
    %dma_wait3A_35 = arith.constant 0 : i32
    %dma_wait3A_36 = tpu.memref_slice %arg7[%dma_wait3A, %dma_wait3A_35] : memref<80x128xi32, #tpu.memory_space<vmem>> -> memref<1x128xi32, #tpu.memory_space<vmem>>
    %dma_wait3A_37 = tpu.memref_squeeze %dma_wait3A_36 : memref<1x128xi32, #tpu.memory_space<vmem>> -> memref<128xi32, #tpu.memory_space<vmem>>
    %dma_wait3A_38 = arith.constant 0 : i32
    %dma_wait3A_39 = arith.constant 0 : i32
    %dma_wait3A_40 = tpu.memref_slice %arg2[%dma_wait3A_38, %dma_wait3A_39] : memref<10000x64xbf16, #tpu.memory_space<hbm>> -> memref<10000x64xbf16, #tpu.memory_space<hbm>>
    tpu.wait_indirect_dma semaphore(%arg14 : memref<!tpu.dma_semaphore, #tpu.memory_space<semaphore_mem>>) src(%dma_wait3A_40 : memref<10000x64xbf16, #tpu.memory_space<hbm>>) dst(%arg9 : memref<128x64xbf16, #tpu.memory_space<vmem>>)
    %dma_wait3A_41 = arith.constant 77 : i32
    %dma_wait3A_42 = arith.constant 0 : i32
    %dma_wait3A_43 = tpu.memref_slice %arg7[%dma_wait3A_41, %dma_wait3A_42] : memref<80x128xi32, #tpu.memory_space<vmem>> -> memref<1x128xi32, #tpu.memory_space<vmem>>
    %dma_wait3A_44 = tpu.memref_squeeze %dma_wait3A_43 : memref<1x128xi32, #tpu.memory_space<vmem>> -> memref<128xi32, #tpu.memory_space<vmem>>
    %dma_wait3A_45 = arith.constant 0 : i32
    %dma_wait3A_46 = arith.constant 0 : i32
    %dma_wait3A_47 = tpu.memref_slice %arg2[%dma_wait3A_45, %dma_wait3A_46] : memref<10000x64xbf16, #tpu.memory_space<hbm>> -> memref<10000x64xbf16, #tpu.memory_space<hbm>>
    tpu.wait_indirect_dma semaphore(%arg15 : memref<!tpu.dma_semaphore, #tpu.memory_space<semaphore_mem>>) src(%dma_wait3A_47 : memref<10000x64xbf16, #tpu.memory_space<hbm>>) dst(%arg10 : memref<128x64xbf16, #tpu.memory_space<vmem>>)
    %dma_wait3A_48 = arith.constant 78 : i32
    %dma_wait3A_49 = arith.constant 0 : i32
    %dma_wait3A_50 = tpu.memref_slice %arg7[%dma_wait3A_48, %dma_wait3A_49] : memref<80x128xi32, #tpu.memory_space<vmem>> -> memref<1x128xi32, #tpu.memory_space<vmem>>
    %dma_wait3A_51 = tpu.memref_squeeze %dma_wait3A_50 : memref<1x128xi32, #tpu.memory_space<vmem>> -> memref<128xi32, #tpu.memory_space<vmem>>
    %dma_wait3A_52 = arith.constant 0 : i32
    %dma_wait3A_53 = arith.constant 0 : i32
    %dma_wait3A_54 = tpu.memref_slice %arg2[%dma_wait3A_52, %dma_wait3A_53] : memref<10000x64xbf16, #tpu.memory_space<hbm>> -> memref<10000x64xbf16, #tpu.memory_space<hbm>>
    tpu.wait_indirect_dma semaphore(%arg16 : memref<!tpu.dma_semaphore, #tpu.memory_space<semaphore_mem>>) src(%dma_wait3A_54 : memref<10000x64xbf16, #tpu.memory_space<hbm>>) dst(%arg11 : memref<128x64xbf16, #tpu.memory_space<vmem>>)
    %dma_wait3A_55 = arith.constant 79 : i32
    %dma_wait3A_56 = arith.constant 0 : i32
    %dma_wait3A_57 = tpu.memref_slice %arg7[%dma_wait3A_55, %dma_wait3A_56] : memref<80x128xi32, #tpu.memory_space<vmem>> -> memref<1x128xi32, #tpu.memory_space<vmem>>
    %dma_wait3A_58 = tpu.memref_squeeze %dma_wait3A_57 : memref<1x128xi32, #tpu.memory_space<vmem>> -> memref<128xi32, #tpu.memory_space<vmem>>
    %dma_wait3A_59 = arith.constant 0 : i32
    %dma_wait3A_60 = arith.constant 0 : i32
    %dma_wait3A_61 = tpu.memref_slice %arg2[%dma_wait3A_59, %dma_wait3A_60] : memref<10000x64xbf16, #tpu.memory_space<hbm>> -> memref<10000x64xbf16, #tpu.memory_space<hbm>>
    tpu.wait_indirect_dma semaphore(%arg17 : memref<!tpu.dma_semaphore, #tpu.memory_space<semaphore_mem>>) src(%dma_wait3A_61 : memref<10000x64xbf16, #tpu.memory_space<hbm>>) dst(%arg12 : memref<128x64xbf16, #tpu.memory_space<vmem>>)
    %barrier3A_62 = arith.constant 0 : index
    tpu.barrier barrier_id(%barrier3A_62)
    %mul3A_63 = arith.constant 10240 : i32
    %mul3A_64 = arith.muli %arg0, %mul3A_63 : i32
    %add3A_65 = arith.addi %mul3A_64, %mul3A_2 : i32
    "tpu.region"() ({
      %run_scoped3A = tpu.sem_alloc : memref<!tpu.dma_semaphore, #tpu.memory_space<semaphore_mem>>
      %dma_start3A_66 = arith.constant 0 : i32
      %dma_start3A_67 = tpu.memref_slice %arg6[%add3A_65, %dma_start3A_66] : memref<20480x64xf32, #tpu.memory_space<hbm>> -> memref<640x64xf32, #tpu.memory_space<hbm>>
      %dma_start3A_68 = arith.constant 0 : i32
      %dma_start3A_69 = tpu.memref_slice %arg13[%mul3A_2, %dma_start3A_68] : memref<10240x64xf32, #tpu.memory_space<vmem_shared>> -> memref<640x64xf32, #tpu.memory_space<vmem_shared>>
      tpu.enqueue_dma source(%dma_start3A_69 : memref<640x64xf32, #tpu.memory_space<vmem_shared>>) target(%dma_start3A_67 : memref<640x64xf32, #tpu.memory_space<hbm>>) target_semaphore(%run_scoped3A : memref<!tpu.dma_semaphore, #tpu.memory_space<semaphore_mem>>)
      %dma_wait3A_70 = arith.constant 0 : i32
      %dma_wait3A_71 = tpu.memref_slice %arg6[%add3A_65, %dma_wait3A_70] : memref<20480x64xf32, #tpu.memory_space<hbm>> -> memref<640x64xf32, #tpu.memory_space<hbm>>
      %dma_wait3A_72 = arith.constant 0 : i32
      %dma_wait3A_73 = tpu.memref_slice %arg13[%mul3A_2, %dma_wait3A_72] : memref<10240x64xf32, #tpu.memory_space<vmem_shared>> -> memref<640x64xf32, #tpu.memory_space<vmem_shared>>
      tpu.wait_dma2 semaphore(%run_scoped3A : memref<!tpu.dma_semaphore, #tpu.memory_space<semaphore_mem>>) src(%dma_wait3A_73 : memref<640x64xf32, #tpu.memory_space<vmem_shared>>) dst(%dma_wait3A_71 : memref<640x64xf32, #tpu.memory_space<hbm>>)
      tpu.yield
    }) : () -> ()
    return
  }
}

#map = affine_map<(d0, d1) -> (0, 0)>
#map1 = affine_map<(d0, d1) -> (0, 0, 0)>
module attributes {stable_mosaic.version = 14 : i64} {
  func.func @_segsum_sc(%arg0: i32, %arg1: i32, %arg2: memref<10000x64xbf16, #tpu.memory_space<hbm>>, %arg3: memref<32x80x128xi32, #tpu.memory_space<hbm>>, %arg4: memref<32x80x128xi32, #tpu.memory_space<hbm>>, %arg5: memref<10240x64xf32, #tpu.memory_space<hbm>>, %arg6: memref<20480x64xf32, #tpu.memory_space<hbm>>, %arg7: memref<80x128xi32, #tpu.memory_space<vmem>>, %arg8: memref<80x128xi32, #tpu.memory_space<vmem>>, %arg9: memref<128x64xbf16, #tpu.memory_space<vmem>>, %arg10: memref<128x64xbf16, #tpu.memory_space<vmem>>, %arg11: memref<128x64xbf16, #tpu.memory_space<vmem>>, %arg12: memref<128x64xbf16, #tpu.memory_space<vmem>>, %arg13: memref<10240x64xf32, #tpu.memory_space<vmem_shared>>, %arg14: memref<!tpu.dma_semaphore, #tpu.memory_space<semaphore_mem>>, %arg15: memref<!tpu.dma_semaphore, #tpu.memory_space<semaphore_mem>>, %arg16: memref<!tpu.dma_semaphore, #tpu.memory_space<semaphore_mem>>, %arg17: memref<!tpu.dma_semaphore, #tpu.memory_space<semaphore_mem>>) attributes {dimension_semantics = [#tpu.dimension_semantics<core_parallel>, #tpu.dimension_semantics<subcore_parallel>], iteration_bounds = array<i64: 2, 16>, scalar_prefetch = 0 : i64, scratch_operands = 11 : i64, tpu.core_type = #tpu.core_type<sc_vector_subcore>, window_params = [{transform_indices = #map}, {transform_indices = #map1}, {transform_indices = #map1}, {transform_indices = #map}, {transform_indices = #map}]} {
    %mul3A = arith.constant 2 : i32
    %mul3A_0 = arith.muli %arg1, %mul3A : i32
    %add3A = arith.addi %mul3A_0, %arg0 : i32
    %mul3A_1 = arith.constant 640 : i32
    %mul3A_2 = arith.muli %arg1, %mul3A_1 : i32
    "tpu.region"() ({
      %run_scoped3A = tpu.sem_alloc : memref<!tpu.dma_semaphore, #tpu.memory_space<semaphore_mem>>
      %dma_start3A_66 = arith.constant 0 : i32
      %dma_start3A_67 = tpu.memref_slice %arg13[%mul3A_2, %dma_start3A_66] : memref<10240x64xf32, #tpu.memory_space<vmem_shared>> -> memref<640x64xf32, #tpu.memory_space<vmem_shared>>
      %dma_start3A_68 = arith.constant 0 : i32
      %dma_start3A_69 = tpu.memref_slice %arg5[%mul3A_2, %dma_start3A_68] : memref<10240x64xf32, #tpu.memory_space<hbm>> -> memref<640x64xf32, #tpu.memory_space<hbm>>
      tpu.enqueue_dma source(%dma_start3A_69 : memref<640x64xf32, #tpu.memory_space<hbm>>) target(%dma_start3A_67 : memref<640x64xf32, #tpu.memory_space<vmem_shared>>) target_semaphore(%run_scoped3A : memref<!tpu.dma_semaphore, #tpu.memory_space<semaphore_mem>>)
      %dma_wait3A_70 = arith.constant 0 : i32
      %dma_wait3A_71 = tpu.memref_slice %arg13[%mul3A_2, %dma_wait3A_70] : memref<10240x64xf32, #tpu.memory_space<vmem_shared>> -> memref<640x64xf32, #tpu.memory_space<vmem_shared>>
      %dma_wait3A_72 = arith.constant 0 : i32
      %dma_wait3A_73 = tpu.memref_slice %arg5[%mul3A_2, %dma_wait3A_72] : memref<10240x64xf32, #tpu.memory_space<hbm>> -> memref<640x64xf32, #tpu.memory_space<hbm>>
      tpu.wait_dma2 semaphore(%run_scoped3A : memref<!tpu.dma_semaphore, #tpu.memory_space<semaphore_mem>>) src(%dma_wait3A_73 : memref<640x64xf32, #tpu.memory_space<hbm>>) dst(%dma_wait3A_71 : memref<640x64xf32, #tpu.memory_space<vmem_shared>>)
      tpu.yield
    }) : () -> ()
    "tpu.region"() ({
      %run_scoped3A = tpu.sem_alloc : memref<!tpu.dma_semaphore, #tpu.memory_space<semaphore_mem>>
      %dma_start3A_66 = arith.constant 0 : i32
      %dma_start3A_67 = arith.constant 0 : i32
      %dma_start3A_68 = tpu.memref_slice %arg3[%add3A, %dma_start3A_66, %dma_start3A_67] : memref<32x80x128xi32, #tpu.memory_space<hbm>> -> memref<1x80x128xi32, #tpu.memory_space<hbm>>
      %dma_start3A_69 = tpu.memref_squeeze %dma_start3A_68 : memref<1x80x128xi32, #tpu.memory_space<hbm>> -> memref<80x128xi32, #tpu.memory_space<hbm>>
      %dma_start3A_70 = arith.constant 0 : i32
      %dma_start3A_71 = arith.constant 0 : i32
      %dma_start3A_72 = tpu.memref_slice %arg3[%add3A, %dma_start3A_70, %dma_start3A_71] : memref<32x80x128xi32, #tpu.memory_space<hbm>> -> memref<1x80x128xi32, #tpu.memory_space<hbm>>
      %dma_start3A_73 = tpu.memref_squeeze %dma_start3A_72 : memref<1x80x128xi32, #tpu.memory_space<hbm>> -> memref<80x128xi32, #tpu.memory_space<hbm>>
      tpu.enqueue_dma source(%dma_start3A_73 : memref<80x128xi32, #tpu.memory_space<hbm>>) target(%arg7 : memref<80x128xi32, #tpu.memory_space<vmem>>) target_semaphore(%run_scoped3A : memref<!tpu.dma_semaphore, #tpu.memory_space<semaphore_mem>>)
      %dma_wait3A_74 = arith.constant 0 : i32
      %dma_wait3A_75 = arith.constant 0 : i32
      %dma_wait3A_76 = tpu.memref_slice %arg3[%add3A, %dma_wait3A_74, %dma_wait3A_75] : memref<32x80x128xi32, #tpu.memory_space<hbm>> -> memref<1x80x128xi32, #tpu.memory_space<hbm>>
      %dma_wait3A_77 = tpu.memref_squeeze %dma_wait3A_76 : memref<1x80x128xi32, #tpu.memory_space<hbm>> -> memref<80x128xi32, #tpu.memory_space<hbm>>
      %dma_wait3A_78 = arith.constant 0 : i32
      %dma_wait3A_79 = arith.constant 0 : i32
      %dma_wait3A_80 = tpu.memref_slice %arg3[%add3A, %dma_wait3A_78, %dma_wait3A_79] : memref<32x80x128xi32, #tpu.memory_space<hbm>> -> memref<1x80x128xi32, #tpu.memory_space<hbm>>
      %dma_wait3A_81 = tpu.memref_squeeze %dma_wait3A_80 : memref<1x80x128xi32, #tpu.memory_space<hbm>> -> memref<80x128xi32, #tpu.memory_space<hbm>>
      tpu.wait_dma2 semaphore(%run_scoped3A : memref<!tpu.dma_semaphore, #tpu.memory_space<semaphore_mem>>) src(%dma_wait3A_81 : memref<80x128xi32, #tpu.memory_space<hbm>>) dst(%arg7 : memref<80x128xi32, #tpu.memory_space<vmem>>)
      tpu.yield
    }) : () -> ()
    "tpu.region"() ({
      %run_scoped3A = tpu.sem_alloc : memref<!tpu.dma_semaphore, #tpu.memory_space<semaphore_mem>>
      %dma_start3A_66 = arith.constant 0 : i32
      %dma_start3A_67 = arith.constant 0 : i32
      %dma_start3A_68 = tpu.memref_slice %arg4[%add3A, %dma_start3A_66, %dma_start3A_67] : memref<32x80x128xi32, #tpu.memory_space<hbm>> -> memref<1x80x128xi32, #tpu.memory_space<hbm>>
      %dma_start3A_69 = tpu.memref_squeeze %dma_start3A_68 : memref<1x80x128xi32, #tpu.memory_space<hbm>> -> memref<80x128xi32, #tpu.memory_space<hbm>>
      %dma_start3A_70 = arith.constant 0 : i32
      %dma_start3A_71 = arith.constant 0 : i32
      %dma_start3A_72 = tpu.memref_slice %arg4[%add3A, %dma_start3A_70, %dma_start3A_71] : memref<32x80x128xi32, #tpu.memory_space<hbm>> -> memref<1x80x128xi32, #tpu.memory_space<hbm>>
      %dma_start3A_73 = tpu.memref_squeeze %dma_start3A_72 : memref<1x80x128xi32, #tpu.memory_space<hbm>> -> memref<80x128xi32, #tpu.memory_space<hbm>>
      tpu.enqueue_dma source(%dma_start3A_73 : memref<80x128xi32, #tpu.memory_space<hbm>>) target(%arg8 : memref<80x128xi32, #tpu.memory_space<vmem>>) target_semaphore(%run_scoped3A : memref<!tpu.dma_semaphore, #tpu.memory_space<semaphore_mem>>)
      %dma_wait3A_74 = arith.constant 0 : i32
      %dma_wait3A_75 = arith.constant 0 : i32
      %dma_wait3A_76 = tpu.memref_slice %arg4[%add3A, %dma_wait3A_74, %dma_wait3A_75] : memref<32x80x128xi32, #tpu.memory_space<hbm>> -> memref<1x80x128xi32, #tpu.memory_space<hbm>>
      %dma_wait3A_77 = tpu.memref_squeeze %dma_wait3A_76 : memref<1x80x128xi32, #tpu.memory_space<hbm>> -> memref<80x128xi32, #tpu.memory_space<hbm>>
      %dma_wait3A_78 = arith.constant 0 : i32
      %dma_wait3A_79 = arith.constant 0 : i32
      %dma_wait3A_80 = tpu.memref_slice %arg4[%add3A, %dma_wait3A_78, %dma_wait3A_79] : memref<32x80x128xi32, #tpu.memory_space<hbm>> -> memref<1x80x128xi32, #tpu.memory_space<hbm>>
      %dma_wait3A_81 = tpu.memref_squeeze %dma_wait3A_80 : memref<1x80x128xi32, #tpu.memory_space<hbm>> -> memref<80x128xi32, #tpu.memory_space<hbm>>
      tpu.wait_dma2 semaphore(%run_scoped3A : memref<!tpu.dma_semaphore, #tpu.memory_space<semaphore_mem>>) src(%dma_wait3A_81 : memref<80x128xi32, #tpu.memory_space<hbm>>) dst(%arg8 : memref<80x128xi32, #tpu.memory_space<vmem>>)
      tpu.yield
    }) : () -> ()
    %barrier3A = arith.constant 0 : index
    tpu.barrier barrier_id(%barrier3A)
    %dma_start3A = arith.constant 0 : i32
    %dma_start3A_3 = arith.constant 0 : i32
    %dma_start3A_4 = tpu.memref_slice %arg7[%dma_start3A, %dma_start3A_3] : memref<80x128xi32, #tpu.memory_space<vmem>> -> memref<1x128xi32, #tpu.memory_space<vmem>>
    %dma_start3A_5 = tpu.memref_squeeze %dma_start3A_4 : memref<1x128xi32, #tpu.memory_space<vmem>> -> memref<128xi32, #tpu.memory_space<vmem>>
    %dma_start3A_6 = arith.constant 0 : i32
    %dma_start3A_7 = arith.constant 0 : i32
    %dma_start3A_8 = tpu.memref_slice %arg2[%dma_start3A_6, %dma_start3A_7] : memref<10000x64xbf16, #tpu.memory_space<hbm>> -> memref<10000x64xbf16, #tpu.memory_space<hbm>>
    tpu.enqueue_indirect_dma source(%dma_start3A_8 : memref<10000x64xbf16, #tpu.memory_space<hbm>>) target(%arg9 : memref<128x64xbf16, #tpu.memory_space<vmem>>) offsets(%dma_start3A_5 : memref<128xi32, #tpu.memory_space<vmem>>) semaphore(%arg14 : memref<!tpu.dma_semaphore, #tpu.memory_space<semaphore_mem>>)
    %dma_start3A_9 = arith.constant 1 : i32
    %dma_start3A_10 = arith.constant 0 : i32
    %dma_start3A_11 = tpu.memref_slice %arg7[%dma_start3A_9, %dma_start3A_10] : memref<80x128xi32, #tpu.memory_space<vmem>> -> memref<1x128xi32, #tpu.memory_space<vmem>>
    %dma_start3A_12 = tpu.memref_squeeze %dma_start3A_11 : memref<1x128xi32, #tpu.memory_space<vmem>> -> memref<128xi32, #tpu.memory_space<vmem>>
    %dma_start3A_13 = arith.constant 0 : i32
    %dma_start3A_14 = arith.constant 0 : i32
    %dma_start3A_15 = tpu.memref_slice %arg2[%dma_start3A_13, %dma_start3A_14] : memref<10000x64xbf16, #tpu.memory_space<hbm>> -> memref<10000x64xbf16, #tpu.memory_space<hbm>>
    tpu.enqueue_indirect_dma source(%dma_start3A_15 : memref<10000x64xbf16, #tpu.memory_space<hbm>>) target(%arg10 : memref<128x64xbf16, #tpu.memory_space<vmem>>) offsets(%dma_start3A_12 : memref<128xi32, #tpu.memory_space<vmem>>) semaphore(%arg15 : memref<!tpu.dma_semaphore, #tpu.memory_space<semaphore_mem>>)
    %dma_start3A_16 = arith.constant 2 : i32
    %dma_start3A_17 = arith.constant 0 : i32
    %dma_start3A_18 = tpu.memref_slice %arg7[%dma_start3A_16, %dma_start3A_17] : memref<80x128xi32, #tpu.memory_space<vmem>> -> memref<1x128xi32, #tpu.memory_space<vmem>>
    %dma_start3A_19 = tpu.memref_squeeze %dma_start3A_18 : memref<1x128xi32, #tpu.memory_space<vmem>> -> memref<128xi32, #tpu.memory_space<vmem>>
    %dma_start3A_20 = arith.constant 0 : i32
    %dma_start3A_21 = arith.constant 0 : i32
    %dma_start3A_22 = tpu.memref_slice %arg2[%dma_start3A_20, %dma_start3A_21] : memref<10000x64xbf16, #tpu.memory_space<hbm>> -> memref<10000x64xbf16, #tpu.memory_space<hbm>>
    tpu.enqueue_indirect_dma source(%dma_start3A_22 : memref<10000x64xbf16, #tpu.memory_space<hbm>>) target(%arg11 : memref<128x64xbf16, #tpu.memory_space<vmem>>) offsets(%dma_start3A_19 : memref<128xi32, #tpu.memory_space<vmem>>) semaphore(%arg16 : memref<!tpu.dma_semaphore, #tpu.memory_space<semaphore_mem>>)
    %dma_start3A_23 = arith.constant 3 : i32
    %dma_start3A_24 = arith.constant 0 : i32
    %dma_start3A_25 = tpu.memref_slice %arg7[%dma_start3A_23, %dma_start3A_24] : memref<80x128xi32, #tpu.memory_space<vmem>> -> memref<1x128xi32, #tpu.memory_space<vmem>>
    %dma_start3A_26 = tpu.memref_squeeze %dma_start3A_25 : memref<1x128xi32, #tpu.memory_space<vmem>> -> memref<128xi32, #tpu.memory_space<vmem>>
    %dma_start3A_27 = arith.constant 0 : i32
    %dma_start3A_28 = arith.constant 0 : i32
    %dma_start3A_29 = tpu.memref_slice %arg2[%dma_start3A_27, %dma_start3A_28] : memref<10000x64xbf16, #tpu.memory_space<hbm>> -> memref<10000x64xbf16, #tpu.memory_space<hbm>>
    tpu.enqueue_indirect_dma source(%dma_start3A_29 : memref<10000x64xbf16, #tpu.memory_space<hbm>>) target(%arg12 : memref<128x64xbf16, #tpu.memory_space<vmem>>) offsets(%dma_start3A_26 : memref<128xi32, #tpu.memory_space<vmem>>) semaphore(%arg17 : memref<!tpu.dma_semaphore, #tpu.memory_space<semaphore_mem>>)
    %scan3A = arith.constant 0 : i32
    %scan3A_30 = arith.constant 0 : i32
    %scan3A_31 = arith.constant 19 : i32
    %scan3A_32 = arith.addi %scan3A_30, %scan3A_31 : i32
    %scan3A_33 = arith.constant 1 : i32
    scf.for %scan3A_66 = %scan3A_30 to %scan3A_32 step %scan3A_33  : i32 {
      %mul3A_67 = arith.constant 4 : i32
      %mul3A_68 = arith.muli %mul3A_67, %scan3A_66 : i32
      %add3A_69 = arith.constant 0 : i32
      %add3A_70 = arith.addi %mul3A_68, %add3A_69 : i32
      %dma_wait3A_71 = arith.constant 0 : i32
      %dma_wait3A_72 = tpu.memref_slice %arg7[%add3A_70, %dma_wait3A_71] : memref<80x128xi32, #tpu.memory_space<vmem>> -> memref<1x128xi32, #tpu.memory_space<vmem>>
      %dma_wait3A_73 = tpu.memref_squeeze %dma_wait3A_72 : memref<1x128xi32, #tpu.memory_space<vmem>> -> memref<128xi32, #tpu.memory_space<vmem>>
      %dma_wait3A_74 = arith.constant 0 : i32
      %dma_wait3A_75 = arith.constant 0 : i32
      %dma_wait3A_76 = tpu.memref_slice %arg2[%dma_wait3A_74, %dma_wait3A_75] : memref<10000x64xbf16, #tpu.memory_space<hbm>> -> memref<10000x64xbf16, #tpu.memory_space<hbm>>
      tpu.wait_indirect_dma semaphore(%arg14 : memref<!tpu.dma_semaphore, #tpu.memory_space<semaphore_mem>>) src(%dma_wait3A_76 : memref<10000x64xbf16, #tpu.memory_space<hbm>>) dst(%arg9 : memref<128x64xbf16, #tpu.memory_space<vmem>>)
      %add3A_77 = arith.constant 0 : i32
      %add3A_78 = arith.addi %mul3A_68, %add3A_77 : i32
      %add3A_79 = arith.constant 4 : i32
      %add3A_80 = arith.addi %mul3A_68, %add3A_79 : i32
      %add3A_81 = arith.constant 0 : i32
      %add3A_82 = arith.addi %add3A_80, %add3A_81 : i32
      %dma_start3A_83 = arith.constant 0 : i32
      %dma_start3A_84 = tpu.memref_slice %arg7[%add3A_82, %dma_start3A_83] : memref<80x128xi32, #tpu.memory_space<vmem>> -> memref<1x128xi32, #tpu.memory_space<vmem>>
      %dma_start3A_85 = tpu.memref_squeeze %dma_start3A_84 : memref<1x128xi32, #tpu.memory_space<vmem>> -> memref<128xi32, #tpu.memory_space<vmem>>
      %dma_start3A_86 = arith.constant 0 : i32
      %dma_start3A_87 = arith.constant 0 : i32
      %dma_start3A_88 = tpu.memref_slice %arg2[%dma_start3A_86, %dma_start3A_87] : memref<10000x64xbf16, #tpu.memory_space<hbm>> -> memref<10000x64xbf16, #tpu.memory_space<hbm>>
      tpu.enqueue_indirect_dma source(%dma_start3A_88 : memref<10000x64xbf16, #tpu.memory_space<hbm>>) target(%arg9 : memref<128x64xbf16, #tpu.memory_space<vmem>>) offsets(%dma_start3A_85 : memref<128xi32, #tpu.memory_space<vmem>>) semaphore(%arg14 : memref<!tpu.dma_semaphore, #tpu.memory_space<semaphore_mem>>)
      %add3A_89 = arith.constant 1 : i32
      %add3A_90 = arith.addi %mul3A_68, %add3A_89 : i32
      %dma_wait3A_91 = arith.constant 0 : i32
      %dma_wait3A_92 = tpu.memref_slice %arg7[%add3A_90, %dma_wait3A_91] : memref<80x128xi32, #tpu.memory_space<vmem>> -> memref<1x128xi32, #tpu.memory_space<vmem>>
      %dma_wait3A_93 = tpu.memref_squeeze %dma_wait3A_92 : memref<1x128xi32, #tpu.memory_space<vmem>> -> memref<128xi32, #tpu.memory_space<vmem>>
      %dma_wait3A_94 = arith.constant 0 : i32
      %dma_wait3A_95 = arith.constant 0 : i32
      %dma_wait3A_96 = tpu.memref_slice %arg2[%dma_wait3A_94, %dma_wait3A_95] : memref<10000x64xbf16, #tpu.memory_space<hbm>> -> memref<10000x64xbf16, #tpu.memory_space<hbm>>
      tpu.wait_indirect_dma semaphore(%arg15 : memref<!tpu.dma_semaphore, #tpu.memory_space<semaphore_mem>>) src(%dma_wait3A_96 : memref<10000x64xbf16, #tpu.memory_space<hbm>>) dst(%arg10 : memref<128x64xbf16, #tpu.memory_space<vmem>>)
      %add3A_97 = arith.constant 1 : i32
      %add3A_98 = arith.addi %mul3A_68, %add3A_97 : i32
      %add3A_99 = arith.constant 4 : i32
      %add3A_100 = arith.addi %mul3A_68, %add3A_99 : i32
      %add3A_101 = arith.constant 1 : i32
      %add3A_102 = arith.addi %add3A_100, %add3A_101 : i32
      %dma_start3A_103 = arith.constant 0 : i32
      %dma_start3A_104 = tpu.memref_slice %arg7[%add3A_102, %dma_start3A_103] : memref<80x128xi32, #tpu.memory_space<vmem>> -> memref<1x128xi32, #tpu.memory_space<vmem>>
      %dma_start3A_105 = tpu.memref_squeeze %dma_start3A_104 : memref<1x128xi32, #tpu.memory_space<vmem>> -> memref<128xi32, #tpu.memory_space<vmem>>
      %dma_start3A_106 = arith.constant 0 : i32
      %dma_start3A_107 = arith.constant 0 : i32
      %dma_start3A_108 = tpu.memref_slice %arg2[%dma_start3A_106, %dma_start3A_107] : memref<10000x64xbf16, #tpu.memory_space<hbm>> -> memref<10000x64xbf16, #tpu.memory_space<hbm>>
      tpu.enqueue_indirect_dma source(%dma_start3A_108 : memref<10000x64xbf16, #tpu.memory_space<hbm>>) target(%arg10 : memref<128x64xbf16, #tpu.memory_space<vmem>>) offsets(%dma_start3A_105 : memref<128xi32, #tpu.memory_space<vmem>>) semaphore(%arg15 : memref<!tpu.dma_semaphore, #tpu.memory_space<semaphore_mem>>)
      %add3A_109 = arith.constant 2 : i32
      %add3A_110 = arith.addi %mul3A_68, %add3A_109 : i32
      %dma_wait3A_111 = arith.constant 0 : i32
      %dma_wait3A_112 = tpu.memref_slice %arg7[%add3A_110, %dma_wait3A_111] : memref<80x128xi32, #tpu.memory_space<vmem>> -> memref<1x128xi32, #tpu.memory_space<vmem>>
      %dma_wait3A_113 = tpu.memref_squeeze %dma_wait3A_112 : memref<1x128xi32, #tpu.memory_space<vmem>> -> memref<128xi32, #tpu.memory_space<vmem>>
      %dma_wait3A_114 = arith.constant 0 : i32
      %dma_wait3A_115 = arith.constant 0 : i32
      %dma_wait3A_116 = tpu.memref_slice %arg2[%dma_wait3A_114, %dma_wait3A_115] : memref<10000x64xbf16, #tpu.memory_space<hbm>> -> memref<10000x64xbf16, #tpu.memory_space<hbm>>
      tpu.wait_indirect_dma semaphore(%arg16 : memref<!tpu.dma_semaphore, #tpu.memory_space<semaphore_mem>>) src(%dma_wait3A_116 : memref<10000x64xbf16, #tpu.memory_space<hbm>>) dst(%arg11 : memref<128x64xbf16, #tpu.memory_space<vmem>>)
      %add3A_117 = arith.constant 2 : i32
      %add3A_118 = arith.addi %mul3A_68, %add3A_117 : i32
      %add3A_119 = arith.constant 4 : i32
      %add3A_120 = arith.addi %mul3A_68, %add3A_119 : i32
      %add3A_121 = arith.constant 2 : i32
      %add3A_122 = arith.addi %add3A_120, %add3A_121 : i32
      %dma_start3A_123 = arith.constant 0 : i32
      %dma_start3A_124 = tpu.memref_slice %arg7[%add3A_122, %dma_start3A_123] : memref<80x128xi32, #tpu.memory_space<vmem>> -> memref<1x128xi32, #tpu.memory_space<vmem>>
      %dma_start3A_125 = tpu.memref_squeeze %dma_start3A_124 : memref<1x128xi32, #tpu.memory_space<vmem>> -> memref<128xi32, #tpu.memory_space<vmem>>
      %dma_start3A_126 = arith.constant 0 : i32
      %dma_start3A_127 = arith.constant 0 : i32
      %dma_start3A_128 = tpu.memref_slice %arg2[%dma_start3A_126, %dma_start3A_127] : memref<10000x64xbf16, #tpu.memory_space<hbm>> -> memref<10000x64xbf16, #tpu.memory_space<hbm>>
      tpu.enqueue_indirect_dma source(%dma_start3A_128 : memref<10000x64xbf16, #tpu.memory_space<hbm>>) target(%arg11 : memref<128x64xbf16, #tpu.memory_space<vmem>>) offsets(%dma_start3A_125 : memref<128xi32, #tpu.memory_space<vmem>>) semaphore(%arg16 : memref<!tpu.dma_semaphore, #tpu.memory_space<semaphore_mem>>)
      %add3A_129 = arith.constant 3 : i32
      %add3A_130 = arith.addi %mul3A_68, %add3A_129 : i32
      %dma_wait3A_131 = arith.constant 0 : i32
      %dma_wait3A_132 = tpu.memref_slice %arg7[%add3A_130, %dma_wait3A_131] : memref<80x128xi32, #tpu.memory_space<vmem>> -> memref<1x128xi32, #tpu.memory_space<vmem>>
      %dma_wait3A_133 = tpu.memref_squeeze %dma_wait3A_132 : memref<1x128xi32, #tpu.memory_space<vmem>> -> memref<128xi32, #tpu.memory_space<vmem>>
      %dma_wait3A_134 = arith.constant 0 : i32
      %dma_wait3A_135 = arith.constant 0 : i32
      %dma_wait3A_136 = tpu.memref_slice %arg2[%dma_wait3A_134, %dma_wait3A_135] : memref<10000x64xbf16, #tpu.memory_space<hbm>> -> memref<10000x64xbf16, #tpu.memory_space<hbm>>
      tpu.wait_indirect_dma semaphore(%arg17 : memref<!tpu.dma_semaphore, #tpu.memory_space<semaphore_mem>>) src(%dma_wait3A_136 : memref<10000x64xbf16, #tpu.memory_space<hbm>>) dst(%arg12 : memref<128x64xbf16, #tpu.memory_space<vmem>>)
      %add3A_137 = arith.constant 3 : i32
      %add3A_138 = arith.addi %mul3A_68, %add3A_137 : i32
      %add3A_139 = arith.constant 4 : i32
      %add3A_140 = arith.addi %mul3A_68, %add3A_139 : i32
      %add3A_141 = arith.constant 3 : i32
      %add3A_142 = arith.addi %add3A_140, %add3A_141 : i32
      %dma_start3A_143 = arith.constant 0 : i32
      %dma_start3A_144 = tpu.memref_slice %arg7[%add3A_142, %dma_start3A_143] : memref<80x128xi32, #tpu.memory_space<vmem>> -> memref<1x128xi32, #tpu.memory_space<vmem>>
      %dma_start3A_145 = tpu.memref_squeeze %dma_start3A_144 : memref<1x128xi32, #tpu.memory_space<vmem>> -> memref<128xi32, #tpu.memory_space<vmem>>
      %dma_start3A_146 = arith.constant 0 : i32
      %dma_start3A_147 = arith.constant 0 : i32
      %dma_start3A_148 = tpu.memref_slice %arg2[%dma_start3A_146, %dma_start3A_147] : memref<10000x64xbf16, #tpu.memory_space<hbm>> -> memref<10000x64xbf16, #tpu.memory_space<hbm>>
      tpu.enqueue_indirect_dma source(%dma_start3A_148 : memref<10000x64xbf16, #tpu.memory_space<hbm>>) target(%arg12 : memref<128x64xbf16, #tpu.memory_space<vmem>>) offsets(%dma_start3A_145 : memref<128xi32, #tpu.memory_space<vmem>>) semaphore(%arg17 : memref<!tpu.dma_semaphore, #tpu.memory_space<semaphore_mem>>)
    }
    %scan3A_34 = arith.constant 19 : i32
    %dma_wait3A = arith.constant 76 : i32
    %dma_wait3A_35 = arith.constant 0 : i32
    %dma_wait3A_36 = tpu.memref_slice %arg7[%dma_wait3A, %dma_wait3A_35] : memref<80x128xi32, #tpu.memory_space<vmem>> -> memref<1x128xi32, #tpu.memory_space<vmem>>
    %dma_wait3A_37 = tpu.memref_squeeze %dma_wait3A_36 : memref<1x128xi32, #tpu.memory_space<vmem>> -> memref<128xi32, #tpu.memory_space<vmem>>
    %dma_wait3A_38 = arith.constant 0 : i32
    %dma_wait3A_39 = arith.constant 0 : i32
    %dma_wait3A_40 = tpu.memref_slice %arg2[%dma_wait3A_38, %dma_wait3A_39] : memref<10000x64xbf16, #tpu.memory_space<hbm>> -> memref<10000x64xbf16, #tpu.memory_space<hbm>>
    tpu.wait_indirect_dma semaphore(%arg14 : memref<!tpu.dma_semaphore, #tpu.memory_space<semaphore_mem>>) src(%dma_wait3A_40 : memref<10000x64xbf16, #tpu.memory_space<hbm>>) dst(%arg9 : memref<128x64xbf16, #tpu.memory_space<vmem>>)
    %dma_wait3A_41 = arith.constant 77 : i32
    %dma_wait3A_42 = arith.constant 0 : i32
    %dma_wait3A_43 = tpu.memref_slice %arg7[%dma_wait3A_41, %dma_wait3A_42] : memref<80x128xi32, #tpu.memory_space<vmem>> -> memref<1x128xi32, #tpu.memory_space<vmem>>
    %dma_wait3A_44 = tpu.memref_squeeze %dma_wait3A_43 : memref<1x128xi32, #tpu.memory_space<vmem>> -> memref<128xi32, #tpu.memory_space<vmem>>
    %dma_wait3A_45 = arith.constant 0 : i32
    %dma_wait3A_46 = arith.constant 0 : i32
    %dma_wait3A_47 = tpu.memref_slice %arg2[%dma_wait3A_45, %dma_wait3A_46] : memref<10000x64xbf16, #tpu.memory_space<hbm>> -> memref<10000x64xbf16, #tpu.memory_space<hbm>>
    tpu.wait_indirect_dma semaphore(%arg15 : memref<!tpu.dma_semaphore, #tpu.memory_space<semaphore_mem>>) src(%dma_wait3A_47 : memref<10000x64xbf16, #tpu.memory_space<hbm>>) dst(%arg10 : memref<128x64xbf16, #tpu.memory_space<vmem>>)
    %dma_wait3A_48 = arith.constant 78 : i32
    %dma_wait3A_49 = arith.constant 0 : i32
    %dma_wait3A_50 = tpu.memref_slice %arg7[%dma_wait3A_48, %dma_wait3A_49] : memref<80x128xi32, #tpu.memory_space<vmem>> -> memref<1x128xi32, #tpu.memory_space<vmem>>
    %dma_wait3A_51 = tpu.memref_squeeze %dma_wait3A_50 : memref<1x128xi32, #tpu.memory_space<vmem>> -> memref<128xi32, #tpu.memory_space<vmem>>
    %dma_wait3A_52 = arith.constant 0 : i32
    %dma_wait3A_53 = arith.constant 0 : i32
    %dma_wait3A_54 = tpu.memref_slice %arg2[%dma_wait3A_52, %dma_wait3A_53] : memref<10000x64xbf16, #tpu.memory_space<hbm>> -> memref<10000x64xbf16, #tpu.memory_space<hbm>>
    tpu.wait_indirect_dma semaphore(%arg16 : memref<!tpu.dma_semaphore, #tpu.memory_space<semaphore_mem>>) src(%dma_wait3A_54 : memref<10000x64xbf16, #tpu.memory_space<hbm>>) dst(%arg11 : memref<128x64xbf16, #tpu.memory_space<vmem>>)
    %dma_wait3A_55 = arith.constant 79 : i32
    %dma_wait3A_56 = arith.constant 0 : i32
    %dma_wait3A_57 = tpu.memref_slice %arg7[%dma_wait3A_55, %dma_wait3A_56] : memref<80x128xi32, #tpu.memory_space<vmem>> -> memref<1x128xi32, #tpu.memory_space<vmem>>
    %dma_wait3A_58 = tpu.memref_squeeze %dma_wait3A_57 : memref<1x128xi32, #tpu.memory_space<vmem>> -> memref<128xi32, #tpu.memory_space<vmem>>
    %dma_wait3A_59 = arith.constant 0 : i32
    %dma_wait3A_60 = arith.constant 0 : i32
    %dma_wait3A_61 = tpu.memref_slice %arg2[%dma_wait3A_59, %dma_wait3A_60] : memref<10000x64xbf16, #tpu.memory_space<hbm>> -> memref<10000x64xbf16, #tpu.memory_space<hbm>>
    tpu.wait_indirect_dma semaphore(%arg17 : memref<!tpu.dma_semaphore, #tpu.memory_space<semaphore_mem>>) src(%dma_wait3A_61 : memref<10000x64xbf16, #tpu.memory_space<hbm>>) dst(%arg12 : memref<128x64xbf16, #tpu.memory_space<vmem>>)
    %barrier3A_62 = arith.constant 0 : index
    tpu.barrier barrier_id(%barrier3A_62)
    %mul3A_63 = arith.constant 10240 : i32
    %mul3A_64 = arith.muli %arg0, %mul3A_63 : i32
    %add3A_65 = arith.addi %mul3A_64, %mul3A_2 : i32
    "tpu.region"() ({
      %run_scoped3A = tpu.sem_alloc : memref<!tpu.dma_semaphore, #tpu.memory_space<semaphore_mem>>
      %dma_start3A_66 = arith.constant 0 : i32
      %dma_start3A_67 = tpu.memref_slice %arg6[%add3A_65, %dma_start3A_66] : memref<20480x64xf32, #tpu.memory_space<hbm>> -> memref<640x64xf32, #tpu.memory_space<hbm>>
      %dma_start3A_68 = arith.constant 0 : i32
      %dma_start3A_69 = tpu.memref_slice %arg13[%mul3A_2, %dma_start3A_68] : memref<10240x64xf32, #tpu.memory_space<vmem_shared>> -> memref<640x64xf32, #tpu.memory_space<vmem_shared>>
      tpu.enqueue_dma source(%dma_start3A_69 : memref<640x64xf32, #tpu.memory_space<vmem_shared>>) target(%dma_start3A_67 : memref<640x64xf32, #tpu.memory_space<hbm>>) target_semaphore(%run_scoped3A : memref<!tpu.dma_semaphore, #tpu.memory_space<semaphore_mem>>)
      %dma_wait3A_70 = arith.constant 0 : i32
      %dma_wait3A_71 = tpu.memref_slice %arg6[%add3A_65, %dma_wait3A_70] : memref<20480x64xf32, #tpu.memory_space<hbm>> -> memref<640x64xf32, #tpu.memory_space<hbm>>
      %dma_wait3A_72 = arith.constant 0 : i32
      %dma_wait3A_73 = tpu.memref_slice %arg13[%mul3A_2, %dma_wait3A_72] : memref<10240x64xf32, #tpu.memory_space<vmem_shared>> -> memref<640x64xf32, #tpu.memory_space<vmem_shared>>
      tpu.wait_dma2 semaphore(%run_scoped3A : memref<!tpu.dma_semaphore, #tpu.memory_space<semaphore_mem>>) src(%dma_wait3A_73 : memref<640x64xf32, #tpu.memory_space<vmem_shared>>) dst(%dma_wait3A_71 : memref<640x64xf32, #tpu.memory_space<hbm>>)
      tpu.yield
    }) : () -> ()
    return
  }
}

module attributes {stable_mosaic.version = 14 : i64} {
  func.func @_mm_body(%arg0: memref<10000x128xf32, #tpu.memory_space<vmem>>, %arg1: memref<128x64xf32, #tpu.memory_space<vmem>>, %arg2: memref<10000x64xf32, #tpu.memory_space<vmem>>) attributes {dimension_semantics = [], scalar_prefetch = 0 : i64, scratch_operands = 0 : i64, tpu.core_type = #tpu.core_type<tc>} {
    %get3A = arith.constant 0 : index
    %get3A_0 = arith.constant 0 : index
    %get3A_1 = vector.load %arg0[%get3A, %get3A_0] : memref<10000x128xf32, #tpu.memory_space<vmem>>, vector<10000x128xf32>
    %get3A_2 = arith.constant 0 : index
    %get3A_3 = arith.constant 0 : index
    %get3A_4 = vector.load %arg1[%get3A_2, %get3A_3] : memref<128x64xf32, #tpu.memory_space<vmem>>, vector<128x64xf32>
    %dot_general3A = arith.constant dense<0.000000e+00> : vector<10000x64xf32>
    %dot_general3A_5 = tpu.matmul %get3A_1, %get3A_4, %dot_general3A {dimension_numbers = #tpu.dot_dimension_numbers<[1], [0], [0], [1], [0, 0, 1, 1], [], []>, transpose_lhs_hint = false} : vector<10000x128xf32>, vector<128x64xf32>, vector<10000x64xf32> -> vector<10000x64xf32>
    %swap3A = arith.constant 0 : index
    %swap3A_6 = arith.constant 0 : index
    %swap3A_7 = vector.load %arg2[%swap3A, %swap3A_6] : memref<10000x64xf32, #tpu.memory_space<vmem>>, vector<10000x64xf32>
    tpu.vector_store %arg2[%swap3A, %swap3A_6], %dot_general3A_5 {strides = array<i32>} : memref<10000x64xf32, #tpu.memory_space<vmem>>, vector<10000x64xf32>,
    return
  }
}

module attributes {stable_mosaic.version = 14 : i64} {
  func.func @_mid_body(%arg0: memref<10000x64xf32, #tpu.memory_space<vmem>>, %arg1: memref<20480x64xf32, #tpu.memory_space<vmem>>, %arg2: memref<1x64xf32, #tpu.memory_space<vmem>>, %arg3: memref<64x64xf32, #tpu.memory_space<vmem>>, %arg4: memref<1x64xf32, #tpu.memory_space<vmem>>, %arg5: memref<64x64xf32, #tpu.memory_space<vmem>>, %arg6: memref<10000x64xf32, #tpu.memory_space<vmem>>) attributes {dimension_semantics = [], scalar_prefetch = 0 : i64, scratch_operands = 0 : i64, tpu.core_type = #tpu.core_type<tc>} {
    %get3A = arith.constant 0 : index
    %get3A_0 = arith.constant 0 : index
    %get3A_1 = vector.load %arg1[%get3A, %get3A_0] : memref<20480x64xf32, #tpu.memory_space<vmem>>, vector<10000x64xf32>
    %get3A_2 = arith.constant 10240 : index
    %get3A_3 = arith.constant 0 : index
    %get3A_4 = vector.load %arg1[%get3A_2, %get3A_3] : memref<20480x64xf32, #tpu.memory_space<vmem>>, vector<10000x64xf32>
    %add3A = arith.addf %get3A_1, %get3A_4 : vector<10000x64xf32>
    %get3A_5 = arith.constant 0 : index
    %get3A_6 = arith.constant 0 : index
    %get3A_7 = vector.load %arg0[%get3A_5, %get3A_6] : memref<10000x64xf32, #tpu.memory_space<vmem>>, vector<10000x64xf32>
    %add3A_8 = arith.addf %get3A_7, %add3A : vector<10000x64xf32>
    %get3A_9 = arith.constant 0 : index
    %get3A_10 = arith.constant 0 : index
    %get3A_11 = vector.load %arg2[%get3A_9, %get3A_10] : memref<1x64xf32, #tpu.memory_space<vmem>>, vector<1x64xf32>
    %add3A_12 = vector.broadcast %get3A_11 : vector<1x64xf32> to vector<10000x64xf32>
    %add3A_13 = arith.addf %add3A_8, %add3A_12 : vector<10000x64xf32>
    %max3A = arith.constant 0.000000e+00 : f32
    %max3A_14 = vector.broadcast %max3A : f32 to vector<10000x64xf32>
    %max3A_15 = arith.maximumf %add3A_13, %max3A_14 : vector<10000x64xf32>
    %get3A_16 = arith.constant 0 : index
    %get3A_17 = arith.constant 0 : index
    %get3A_18 = vector.load %arg3[%get3A_16, %get3A_17] : memref<64x64xf32, #tpu.memory_space<vmem>>, vector<64x64xf32>
    %dot_general3A = arith.constant dense<0.000000e+00> : vector<10000x64xf32>
    %dot_general3A_19 = tpu.matmul %max3A_15, %get3A_18, %dot_general3A {dimension_numbers = #tpu.dot_dimension_numbers<[1], [0], [0], [1], [0, 0, 1, 1], [], []>, transpose_lhs_hint = false} : vector<10000x64xf32>, vector<64x64xf32>, vector<10000x64xf32> -> vector<10000x64xf32>
    %get3A_20 = arith.constant 0 : index
    %get3A_21 = arith.constant 0 : index
    %get3A_22 = vector.load %arg4[%get3A_20, %get3A_21] : memref<1x64xf32, #tpu.memory_space<vmem>>, vector<1x64xf32>
    %add3A_23 = vector.broadcast %get3A_22 : vector<1x64xf32> to vector<10000x64xf32>
    %add3A_24 = arith.addf %dot_general3A_19, %add3A_23 : vector<10000x64xf32>
    %get3A_25 = arith.constant 0 : index
    %get3A_26 = arith.constant 0 : index
    %get3A_27 = vector.load %arg5[%get3A_25, %get3A_26] : memref<64x64xf32, #tpu.memory_space<vmem>>, vector<64x64xf32>
    %dot_general3A_28 = arith.constant dense<0.000000e+00> : vector<10000x64xf32>
    %dot_general3A_29 = tpu.matmul %add3A_24, %get3A_27, %dot_general3A_28 {dimension_numbers = #tpu.dot_dimension_numbers<[1], [0], [0], [1], [0, 0, 1, 1], [], []>, transpose_lhs_hint = false} : vector<10000x64xf32>, vector<64x64xf32>, vector<10000x64xf32> -> vector<10000x64xf32>
    %swap3A = arith.constant 0 : index
    %swap3A_30 = arith.constant 0 : index
    %swap3A_31 = vector.load %arg6[%swap3A, %swap3A_30] : memref<10000x64xf32, #tpu.memory_space<vmem>>, vector<10000x64xf32>
    tpu.vector_store %arg6[%swap3A, %swap3A_30], %dot_general3A_29 {strides = array<i32>} : memref<10000x64xf32, #tpu.memory_space<vmem>>, vector<10000x64xf32>,
    return
  }
}

module attributes {stable_mosaic.version = 14 : i64} {
  func.func @_final_body(%arg0: memref<10000x64xf32, #tpu.memory_space<vmem>>, %arg1: memref<20480x64xf32, #tpu.memory_space<vmem>>, %arg2: memref<1x64xf32, #tpu.memory_space<vmem>>, %arg3: memref<64x64xf32, #tpu.memory_space<vmem>>, %arg4: memref<1x64xf32, #tpu.memory_space<vmem>>, %arg5: memref<1x10000xi32, #tpu.memory_space<vmem>>, %arg6: memref<64x10xf32, #tpu.memory_space<vmem>>, %arg7: memref<1x10xf32, #tpu.memory_space<vmem>>, %arg8: memref<64x10xf32, #tpu.memory_space<vmem>>) attributes {dimension_semantics = [], scalar_prefetch = 0 : i64, scratch_operands = 0 : i64, tpu.core_type = #tpu.core_type<tc>} {
    %get3A = arith.constant 0 : index
    %get3A_0 = arith.constant 0 : index
    %get3A_1 = vector.load %arg1[%get3A, %get3A_0] : memref<20480x64xf32, #tpu.memory_space<vmem>>, vector<10000x64xf32>
    %get3A_2 = arith.constant 10240 : index
    %get3A_3 = arith.constant 0 : index
    %get3A_4 = vector.load %arg1[%get3A_2, %get3A_3] : memref<20480x64xf32, #tpu.memory_space<vmem>>, vector<10000x64xf32>
    %add3A = arith.addf %get3A_1, %get3A_4 : vector<10000x64xf32>
    %get3A_5 = arith.constant 0 : index
    %get3A_6 = arith.constant 0 : index
    %get3A_7 = vector.load %arg0[%get3A_5, %get3A_6] : memref<10000x64xf32, #tpu.memory_space<vmem>>, vector<10000x64xf32>
    %add3A_8 = arith.addf %get3A_7, %add3A : vector<10000x64xf32>
    %get3A_9 = arith.constant 0 : index
    %get3A_10 = arith.constant 0 : index
    %get3A_11 = vector.load %arg2[%get3A_9, %get3A_10] : memref<1x64xf32, #tpu.memory_space<vmem>>, vector<1x64xf32>
    %add3A_12 = vector.broadcast %get3A_11 : vector<1x64xf32> to vector<10000x64xf32>
    %add3A_13 = arith.addf %add3A_8, %add3A_12 : vector<10000x64xf32>
    %max3A = arith.constant 0.000000e+00 : f32
    %max3A_14 = vector.broadcast %max3A : f32 to vector<10000x64xf32>
    %max3A_15 = arith.maximumf %add3A_13, %max3A_14 : vector<10000x64xf32>
    %get3A_16 = arith.constant 0 : index
    %get3A_17 = arith.constant 0 : index
    %get3A_18 = vector.load %arg3[%get3A_16, %get3A_17] : memref<64x64xf32, #tpu.memory_space<vmem>>, vector<64x64xf32>
    %dot_general3A = arith.constant dense<0.000000e+00> : vector<10000x64xf32>
    %dot_general3A_19 = tpu.matmul %max3A_15, %get3A_18, %dot_general3A {dimension_numbers = #tpu.dot_dimension_numbers<[1], [0], [0], [1], [0, 0, 1, 1], [], []>, transpose_lhs_hint = false} : vector<10000x64xf32>, vector<64x64xf32>, vector<10000x64xf32> -> vector<10000x64xf32>
    %get3A_20 = arith.constant 0 : index
    %get3A_21 = arith.constant 0 : index
    %get3A_22 = vector.load %arg4[%get3A_20, %get3A_21] : memref<1x64xf32, #tpu.memory_space<vmem>>, vector<1x64xf32>
    %add3A_23 = vector.broadcast %get3A_22 : vector<1x64xf32> to vector<10000x64xf32>
    %add3A_24 = arith.addf %dot_general3A_19, %add3A_23 : vector<10000x64xf32>
    %iota3A = tpu.iota {dimensions = array<i32: 0>} : vector<64x10000xi32>
    %get3A_25 = arith.constant 0 : index
    %get3A_26 = arith.constant 0 : index
    %get3A_27 = vector.load %arg5[%get3A_25, %get3A_26] : memref<1x10000xi32, #tpu.memory_space<vmem>>, vector<1x10000xi32>
    %eq3A = vector.broadcast %get3A_27 : vector<1x10000xi32> to vector<64x10000xi32>
    %eq3A_28 = arith.cmpi eq, %eq3A, %iota3A : vector<64x10000xi32>
    %convert_element_type3A = arith.extui %eq3A_28 : vector<64x10000xi1> to vector<64x10000xi32>
    %convert_element_type3A_29 = arith.sitofp %convert_element_type3A : vector<64x10000xi32> to vector<64x10000xf32>
    %dot_general3A_30 = arith.constant dense<0.000000e+00> : vector<64x64xf32>
    %dot_general3A_31 = tpu.matmul %convert_element_type3A_29, %add3A_24, %dot_general3A_30 {dimension_numbers = #tpu.dot_dimension_numbers<[1], [0], [0], [1], [0, 0, 1, 1], [], []>, transpose_lhs_hint = false} : vector<64x10000xf32>, vector<10000x64xf32>, vector<64x64xf32> -> vector<64x64xf32>
    %broadcast_in_dim3A = arith.constant 1.000000e+00 : f32
    %broadcast_in_dim3A_32 = vector.broadcast %broadcast_in_dim3A : f32 to vector<10000x1xf32>
    %dot_general3A_33 = arith.constant dense<0.000000e+00> : vector<64x1xf32>
    %dot_general3A_34 = tpu.matmul %convert_element_type3A_29, %broadcast_in_dim3A_32, %dot_general3A_33 {dimension_numbers = #tpu.dot_dimension_numbers<[1], [0], [0], [1], [0, 0, 1, 1], [], []>, transpose_lhs_hint = false} : vector<64x10000xf32>, vector<10000x1xf32>, vector<64x1xf32> -> vector<64x1xf32>
    %max3A_35 = arith.constant 1.000000e+00 : f32
    %max3A_36 = vector.broadcast %max3A_35 : f32 to vector<64x1xf32>
    %max3A_37 = arith.maximumf %dot_general3A_34, %max3A_36 : vector<64x1xf32>
    %div3A = vector.broadcast %max3A_37 : vector<64x1xf32> to vector<64x64xf32>
    %div3A_38 = arith.divf %dot_general3A_31, %div3A : vector<64x64xf32>
    %get3A_39 = arith.constant 0 : index
    %get3A_40 = arith.constant 0 : index
    %get3A_41 = vector.load %arg6[%get3A_39, %get3A_40] : memref<64x10xf32, #tpu.memory_space<vmem>>, vector<64x10xf32>
    %dot_general3A_42 = arith.constant dense<0.000000e+00> : vector<64x10xf32>
    %dot_general3A_43 = tpu.matmul %div3A_38, %get3A_41, %dot_general3A_42 {dimension_numbers = #tpu.dot_dimension_numbers<[1], [0], [0], [1], [0, 0, 1, 1], [], []>, transpose_lhs_hint = false} : vector<64x64xf32>, vector<64x10xf32>, vector<64x10xf32> -> vector<64x10xf32>
    %get3A_44 = arith.constant 0 : index
    %get3A_45 = arith.constant 0 : index
    %get3A_46 = vector.load %arg7[%get3A_44, %get3A_45] : memref<1x10xf32, #tpu.memory_space<vmem>>, vector<1x10xf32>
    %add3A_47 = vector.broadcast %get3A_46 : vector<1x10xf32> to vector<64x10xf32>
    %add3A_48 = arith.addf %dot_general3A_43, %add3A_47 : vector<64x10xf32>
    %swap3A = arith.constant 0 : index
    %swap3A_49 = arith.constant 0 : index
    %swap3A_50 = vector.load %arg8[%swap3A, %swap3A_49] : memref<64x10xf32, #tpu.memory_space<vmem>>, vector<64x10xf32>
    tpu.vector_store %arg8[%swap3A, %swap3A_49], %add3A_48 {strides = array<i32>} : memref<64x10xf32, #tpu.memory_space<vmem>>, vector<64x10xf32>,
    return
  }
}

</mosaic_0001>

<sc_bundles>
// kernel: kernel.10.cloned.1.call-start
scs
__scs_entry_jumppad:
0x0: {  	(pc) =	sbr.rel $0x88, $3  }
0x1: {  	(tag) =	ssettag $0x0;
	lr =	simm.s32 $0x1  }
0x2: {  	[smem:$0x3F94] =	sst lr;
	_ =	strace $0xD0000000  }
0x3: {  	_ = 	snop  }
0x4: {  	_ = 	snop  }
0x5: {  	_ = 	snop  }
0x6: {  	_ = 	snop  }
0x7: {  	_ = 	snop  }
__scs_overlays_trampoline_lowered:
0x8: {  	[smem:$0x3FA3] =	sst s0  }
0x9: {  	[smem:$0x3FA4] =	sst s1  }
0xa: {  	[smem:$0x3FA5] =	sst s2  }
0xb: {  	[smem:$0x3FA6] =	sst s3  }
0xc: {  	[smem:$0x3FA7] =	sst s4  }
0xd: {  	[smem:$0x3FA8] =	sst s5  }
0xe: {  	[smem:$0x3FA9] =	sst s6  }
0xf: {  	[smem:$0x3FAA] =	sst s7  }
0x10: {  	[smem:$0x3FAB] =	sst s8  }
0x11: {  	[smem:$0x3FAC] =	sst s9;
	s0 =	simm.s32 @!p0 $0x0  }
0x12: {  	s1 =	sld [smem:$0x3F92];
	s0 =	simm.s32 @p0 $0x1  }
0x13: {  	[smem:$0x3FAD] =	sst s0;
	s0 =	simm.s32 @!p1 $0x0  }
0x14: {  	s2 =	sld [smem:$0x3F91];
	s0 =	simm.s32 @p1 $0x1  }
0x15: {  	[smem:$0x3FAE] =	sst s0;
	s0 =	simm.s32 @!p2 $0x0  }
0x16: {  	s3 =	sld [smem:$0x3FDB];
	s0 =	simm.s32 @p2 $0x1  }
0x17: {  	s4 =	simm.s32 $0x1BF5;
	[smem:$0x3FB0] =	sst s0  }
0x18: {  	s0 =	sld [smem:$0x3F93];
	_ =	swait.ge [sflag:s4], $0x0  }
0x19: {  	s7 =	sld [smem:$0x3F94]  }
0x1a: {  	s8 =	sadd.s32 $0xFFFFE003, lr  }
0x1b: {  	s9 =	sadd.s32 $0xFFFFFEF7, lr;
	s5 =	simm.s32 $0xFFFFFFFF;
	p2 =	slt.u32 s8, $0xFFFFF086  }
0x1c: {  	p1 =	slt.u32 s9, $0xF7A;
	s5 =	simm.s32 @!p2 $0x0  }
0x1d: {  	s5 =	simm.s32 @p1 $0x1;
	p0 =	seq.s32 s7, s2  }
0x1e: {  	s7 =	smul.u32 @!p0 $0xF7A, s2;
	p2 =	seq.s32 @!p0 s5, $0x0  }
0x1f: {  	s9 =	smul.u32 $0xF7A, s1;
	s8 =	simm.s32 @!p0 $0x1BF5;
	p2 =	por !p2, p0  }
0x20: {  	[sflag:s8] =	ssyncset.s32 @!p0 $0xFFFFF086;
	s6 =	sadd.s32 @!p0 s3, s7;
	s7 =	simm.s32 @!p0 $0x108  }
0x21: {  	s3 =	sadd.s32 s3, s9;
	s6 =	sadd.s32 @!p0 $0x88, s6;
	s7 =	simm.s32 @p2 $0x1082  }
0x22: {  	[simem:s7], [sflag:s8] =	dma.local @!p0 [hbm:s6], $0xF7A  }
0x23: {  	s9 =	sor.u32 $0xD0000000, s2;
	s6 =	simm.s32 $0x108;
	_ =	swait.ge @!p0 [sflag:s8], $0x0  }
0x24: {  	s3 =	sadd.s32 $0x88, s3;
	s6 =	simm.s32 @!p1 $0x1082;
	[sflag:s4] =	ssyncset.s32 $0xFFFFF086  }
0x25: {  	[simem:s6], [sflag:s4] =	dma.local [hbm:s3], $0xF7A  }
0x26: {  	[smem:$0x3F94] =	sst s1;
	(tag) =	ssettag s2;
	_ =	strace s9  }
0x27: {  	s1 =	sld [smem:$0x3FA4]  }
0x28: {  	s2 =	sld [smem:$0x3FA5]  }
0x29: {  	s4 =	sld [smem:$0x3FA7]  }
0x2a: {  	p0 =	seq.s32 s5, $0x0;
	s5 =	sld [smem:$0x3FA8]  }
0x2b: {  	s6 =	sld [smem:$0x3FA9]  }
0x2c: {  	s7 =	sld [smem:$0x3FAA]  }
0x2d: {  	s3 =	simm.s32 $0x108;
	s8 =	sld [smem:$0x3FAB]  }
0x2e: {  	s3 =	simm.s32 @!p0 $0x1082;
	s9 =	sld [smem:$0x3FAC]  }
0x2f: {  	lr =	sadd.s32 s0, s3;
	s0 =	sld [smem:$0x3FA3]  }
0x30: {  	s3 =	sld [smem:$0x3FA6]  }
0x31: {  	[smem:$0x3FAF] =	sst s10  }
0x32: {  	s10 =	sld [smem:$0x3FAD];
	_ =	sdelay $0x3  }
0x33: {  	p0 =	seq.s32 s10, $0x1;
	s10 =	sld [smem:$0x3FAF];
	_ =	sdelay $0x3  }
0x34: {  	[smem:$0x3FAF] =	sst s10  }
0x35: {  	s10 =	sld [smem:$0x3FAE];
	_ =	sdelay $0x3  }
0x36: {  	p1 =	seq.s32 s10, $0x1;
	s10 =	sld [smem:$0x3FAF];
	_ =	sdelay $0x3  }
0x37: {  	[smem:$0x3FAF] =	sst s10  }
0x38: {  	s10 =	sld [smem:$0x3FB0]  }
0x39: {  	_ = 	snop;
	(pc) =	sbr.ind lr, $3  }
0x3a: {  	_ = 	snop  }
0x3b: {  	_ = 	snop  }
0x3c: {  	p2 =	seq.s32 s10, $0x1;
	s10 =	sld [smem:$0x3FAF]  }
0x3d: {  	_ =	shalt  }
0x3e: {  	_ =	shalt  }
0x3f: {  	_ =	shalt  }
0x40: {  	_ =	shalt  }
0x41: {  	_ =	shalt  }
0x42: {  	_ =	shalt  }
0x43: {  	_ =	shalt  }
0x44: {  	_ =	shalt  }
0x45: {  	_ =	shalt  }
0x46: {  	_ =	shalt  }
0x47: {  	_ =	shalt  }
0x48: {  	_ =	shalt  }
0x49: {  	_ =	shalt  }
0x4a: {  	_ =	shalt  }
0x4b: {  	_ =	shalt  }
0x4c: {  	_ =	shalt  }
0x4d: {  	_ =	shalt  }
0x4e: {  	_ =	shalt  }
0x4f: {  	_ =	shalt  }
0x50: {  	_ =	shalt  }
0x51: {  	_ =	shalt  }
0x52: {  	_ =	shalt  }
0x53: {  	_ =	shalt  }
0x54: {  	_ =	shalt  }
0x55: {  	_ =	shalt  }
0x56: {  	_ =	shalt  }
0x57: {  	_ =	shalt  }
0x58: {  	_ =	shalt  }
0x59: {  	_ =	shalt  }
0x5a: {  	_ =	shalt  }
0x5b: {  	_ =	shalt  }
0x5c: {  	_ =	shalt  }
0x5d: {  	_ =	shalt  }
0x5e: {  	_ =	shalt  }
0x5f: {  	_ =	shalt  }
0x60: {  	_ =	shalt  }
0x61: {  	_ =	shalt  }
0x62: {  	_ =	shalt  }
0x63: {  	_ =	shalt  }
0x64: {  	_ =	shalt  }
0x65: {  	_ =	shalt  }
0x66: {  	_ =	shalt  }
0x67: {  	_ =	shalt  }
0x68: {  	_ =	shalt  }
0x69: {  	_ =	shalt  }
0x6a: {  	_ =	shalt  }
0x6b: {  	_ =	shalt  }
0x6c: {  	_ =	shalt  }
0x6d: {  	_ =	shalt  }
0x6e: {  	_ =	shalt  }
0x6f: {  	_ =	shalt  }
0x70: {  	_ =	shalt  }
0x71: {  	_ =	shalt  }
0x72: {  	_ =	shalt  }
0x73: {  	_ =	shalt  }
0x74: {  	_ =	shalt  }
0x75: {  	_ =	shalt  }
0x76: {  	_ =	shalt  }
0x77: {  	_ =	shalt  }
0x78: {  	_ =	shalt  }
0x79: {  	_ =	shalt  }
0x7a: {  	_ =	shalt  }
0x7b: {  	_ =	shalt  }
0x7c: {  	_ =	shalt  }
0x7d: {  	_ =	shalt  }
0x7e: {  	_ =	shalt  }
0x7f: {  	_ =	shalt  }
0x80: {  	_ =	shalt  }
0x81: {  	_ =	shalt  }
0x82: {  	_ =	shalt  }
0x83: {  	_ =	shalt  }
0x84: {  	_ =	shalt  }
0x85: {  	_ =	shalt  }
0x86: {  	_ =	shalt  }
0x87: {  	_ =	shalt  }
.Lfunc_end0:
.L_simem_size_0:
called_computation.1_lowered:
.L_overlay_start_0:
0x88: {  	s2 =	sld [smem:$0x3FD9]  }
0x89: {  	s3 =	sld [smem:$0x3FFE];
	_ =	sdelay $0x1  }
0x8a: {  	s1 =	srdreg.scid  }
0x8b: {  	s0 =	sand.u32 $0x1, s1  }
0x8c: {  	s16 =	sshll.u32 s0, $0xA;
	s2 =	sadd.s32 s3, s2  }
0x8d: {  	s2 =	sadd.s32 s2, s16  }
0x8e: {  	[smem:$0x3FBB] =	sst s2  }
0x8f: {  	_ = 	snop  }
0x90: {  	(tm) =	ssettm $0x1  }
0x91: {  	s17 =	sld [smem:$0x3FFB];
	_ =	sdelay $0x3  }
0x92: {  	_ =	strace s17  }
0x93: {  	s2 =	sld [smem:$0x3FFC];
	_ =	sdelay $0x3  }
0x94: {  	_ =	strace s2  }
0x95: {  	s2 =	sld [smem:$0x3FFD];
	_ =	sdelay $0x3  }
0x96: {  	_ =	strace s2  }
0x97: {  	_ =	strace $0x8FFFFFFF  }
0x98: {  	s18 =	sld [smem:$0x3FDB];
	_ =	sdelay $0x1  }
0x99: {  	s19 =	simm.s32 $_scs_section_size  }
0x9a: {  	s4 =	simm.s32 $_size__tile_overlayer_lowered;
	s5 =	simm.s32 $_tile_overlayer_lowered  }
0x9b: {  	s22 =	simm.s32 $0x1BFF;
	s21 =	sshll.u32 s5, $0x1;
	s2 =	sadd.s32 s19, s18  }
0x9c: {  	s6 =	simm.s32 $0x0;
	s20 =	sshll.u32 s4, $0x1;
	s4 =	sadd.s32 s21, s2  }
0x9d: {  	[timem:s6], [sflag:s22] =	dma.local [hbm:s4], s20  }
0x9e: {  	_ =	swait.ge [sflag:s22], s20  }
0x9f: {  	s3 =	ssub.s32 $0x0, s20;
	[sflag:s22] =	ssyncset.done $0x0  }
0xa0: {  	[sflag:s22] =	ssyncadd.s32 s3;
	_ =	sdelay $0x1  }
0xa1: {  	s23 =	simm.s32 $0x1B8B  }
0xa2: {  	_ =	swait.ge [sflag:s23], $0x1  }
0xa3: {  	[sflag:s23] =	ssyncset.done $0x0  }
0xa4: {  	s25 =	simm.s32 $0x1B8E;
	s24 =	sld [smem:$0x3FFE];
	[sflag:s23] =	ssyncadd.s32 $0xFFFFFFFF  }
0xa5: {  	s26 =	simm.s32 $execute0_lowered;
	[smem:$0x3FD2] =	sst s25  }
0xa6: {  	s4 =	sshll.u32 s26, $0x1;
	_ =	strace $0x80000049;
	[dreg:$0x1] =	wrdreg $0xFFFFFFFF  }
0xa7: {  	s28 =	simm.s32 $_size_execute0_lowered;
	s2 =	sadd.s32 s2, s4;
	[dreg:$0x0] =	wrdreg $0x0  }
0xa8: {  	s4 =	sshll.u32 s28, $0x1;
	[dreg:$0x2] =	wrdreg s2  }
0xa9: {  	[dreg:$0x3] =	wrdreg s4  }
0xaa: {  	[dreg:$0x4] =	wrdreg $0xC0  }
0xab: {  	_ =	task [dreg:s6], $0x5FFFF  }
0xac: {  	[dreg:$0x1] =	wrdreg $0xFFFFFFFF  }
0xad: {  	[dreg:$0x0] =	wrdreg $0x60  }
0xae: {  	[dreg:$0x2] =	wrdreg s24  }
0xaf: {  	[dreg:$0x3] =	wrdreg $0x90000  }
0xb0: {  	[dreg:$0x4] =	wrdreg $0x9  }
0xb1: {  	_ =	task.clear_ibuf [dreg:s6], $0x5FFFF;
	_ =	strace $0x90000049  }
0xb2: {  	s29 =	simm.s32 $0x9;
	_ =	strace $0x8000004B  }
0xb3: {  	_ =	swait.ge [sflag:s29], $0x1  }
0xb4: {  	[sflag:s29] =	ssyncadd.s32 $0xFFFFFFFF  }
0xb5: {  	_ =	strace $0x9000004B  }
0xb6: {  	_ =	sfence  }
0xb7: {  	s30 =	sld [smem:$0x0];
	_ =	sdelay $0x2  }
0xb8: {  	s31 =	sshll.u32 s1, $0xD;
	s1 =	sshrl.u32 s1, $0x2  }
0xb9: {  	s3 =	sand.u32 $0x4000, s31;
	s1 =	sadd.s32 s1, s30  }
0xba: {  	s0 =	sor.u32 s3, s0;
	s1 =	sshll.u32 s1, $0x11  }
0xbb: {  	s0 =	sor.u32 s1, s0  }
0xbc: {  	s0 =	sadd.s32 $0x8F2B, s0  }
0xbd: {  	[sflag:s0] =	ssyncadd.remote.s32 $0x1  }
0xbe: {  	_ =	sfence.sel $0xFFFF  }
0xbf: {  	[dreg:$0x0] =	wrdreg $0xFFFFFFFF;
	(pc) =	sbr.abs _section_cstart, $3  }
0xc0: {  	[dreg:$0x1] =	wrdreg $0xFFFFFFFF  }
0xc1: {  	_ =	task.clear_ibuf [dreg:s6], $0x2FFFF;
	_ =	strace $0x9FFFFFFF  }
0xc2: {  	(tm) =	ssettm $0x7FFFFFFF  }
0xc3: {  	_ =	shalt  }
tec
execute0_lowered:
.L_overlay_start_1:
0x0: {  	(tag) =	ssettag $0x1  }
0x1: {  	s1 =	srdreg.scid;
	s5 =	rddreg [dreg:$0x0]  }
0x2: {  	s0 =	stileid.u32;
	s7 =	rddreg [dreg:$0x1];
	s2 =	simm.s32 $0x0  }
0x3: {  	s13 =	simm.s32 $0x80;
	s14 =	simm.s32 $0x5000;
	s15 =	simm.s32 $0x6000  }
0x4: {  	s16 =	simm.s32 $0x100;
	s17 =	simm.s32 $0x7000;
	s18 =	simm.s32 $0x180  }
0x5: {  	s19 =	simm.s32 $0x8000;
	s20 =	simm.s32 $0x1;
	s21 =	simm.s32 $0x2  }
0x6: {  	s22 =	simm.s32 $0x3;
	s23 =	simm.s32 $0x4;
	s24 =	simm.s32 $0x0  }
0x7: {  	s4 =	sand.u32 $0x1, s1;
	s26 =	sshll.u32 s0, $0x1;
	s8 =	smul.u32 $0xA000, s0  }
0x8: {  	s9 =	smul.u32 $0x1400, s0;
	[smem:$0x7FF] =	sst s2;
	s3 =	sadd.s32 $0x1600, s5  }
0x9: {  	s31 =	sshll.u32 s0, $0x6;
	s1 =	sor.u32 s4, s26;
	s10 =	smul.u32 $0x14000, s4  }
0xa: {  	s4 =	ssub.s32 $0x2, s4;
	s6 =	smul.u32 $0x500, s1;
	s1 =	rddreg [dreg:$0x2]  }
0xb: {  	_ =	strace $0x8000004A;
	s28 =	sshrl.u32 s8, $0x3;
	s29 =	sshrl.u32 s4, $0x1  }
0xc: {  	s12 =	sadd.s32 s8, s7;
	s9 =	sadd.s32 s9, s10;
	s30 =	ssub.s32 s4, s29  }
0xd: {  	s10 =	sshrl.u32 s12, $0x3;
	s12 =	simm.s32 $0x2800;
	s11 =	sadd.s32 s6, s5  }
0xe: {  	s6 =	sadd.s32 s28, s5;
	s9 =	sadd.s32 s9, s5;
	s5 =	sor.u32 $0x1C05, s31  }
0xf: {  	s4 =	sadd.s32 $0x1F400, s6;
	s6 =	sadd.s32 $0xB400, s11;
	s7 =	sadd.s32 $0x15400, s11  }
0x10: {  	s8 =	sadd.s32 $0x33400, s9;
	s9 =	smax.u32 s30, $0x1;
	s11 =	simm.s32 $0x5  }
.LBB2_1:
0x11: {  	[spmem:s10], [sflag:s5] =	dma.local [hbm:s4], $0x1400  }
0x12: {  	_ =	swait.ge [sflag:s11], $0x1400  }
0x13: {  	[sflag:s11] =	ssyncset.done $0x0  }
0x14: {  	[sflag:s11] =	ssyncadd.s32 $0xFFFFEC00  }
0x15: {  	[tilespmem:s2], [sflag:$0x5] =	stream.linear.gather [hbm4b:s6+s2], $0x2800, $0x38;
	[tilespmem:$0x13000] =	vst v63  }
0x16: {  	_ =	swait.ge [sflag:s11], $0x2800  }
0x17: {  	[sflag:s11] =	ssyncset.done $0x0  }
0x18: {  	[sflag:s11] =	ssyncadd.s32 $0xFFFFD800  }
0x19: {  	[tilespmem:s12], [sflag:$0x5] =	stream.linear.gather [hbm4b:s7+s2], $0x2800, $0x38;
	[tilespmem:$0x13000] =	vst v63  }
0x1a: {  	_ =	swait.ge [sflag:s11], $0x2800  }
0x1b: {  	[sflag:s11] =	ssyncset.done $0x0  }
0x1c: {  	[sflag:s11] =	ssyncadd.s32 $0xFFFFD800  }
0x1d: {  	[bflag:$0x0] =	sbarrier.arrive $0xFFFF  }
0x1e: {  	[tilespmem:s14], [sflag:$0x1] =	stream.indirect.gather [hbm4b:s3+s13], $0x20, s2, s13, $0xb8;
	[tilespmem:$0x13000] =	vst v63  }
0x1f: {  	_ = 	snop  }
0x20: {  	[tilespmem:s15], [sflag:$0x2] =	stream.indirect.gather [hbm4b:s3+s13], $0x20, s13, s13, $0xb8;
	[tilespmem:$0x13000] =	vst v63  }
0x21: {  	_ = 	snop  }
0x22: {  	[tilespmem:s17], [sflag:$0x3] =	stream.indirect.gather [hbm4b:s3+s13], $0x20, s16, s13, $0xb8;
	[tilespmem:$0x13000] =	vst v63  }
0x23: {  	_ = 	snop  }
0x24: {  	[tilespmem:s19], [sflag:$0x4] =	stream.indirect.gather [hbm4b:s3+s13], $0x20, s18, s13, $0xb8;
	[tilespmem:$0x13000] =	vst v63  }
0x25: {  	_ =	swait.ge [sflag:s20], $0x1000  }
0x26: {  	[sflag:s20] =	ssyncset.done $0x0  }
0x27: {  	s25 =	simm.s32 $0x200;
	[sflag:s20] =	ssyncadd.s32 $0xFFFFF000  }
0x28: {  	[tilespmem:s14], [sflag:$0x1] =	stream.indirect.gather [hbm4b:s3+s13], $0x20, s25, s13, $0xb8;
	[tilespmem:$0x13000] =	vst v63  }
0x29: {  	_ =	swait.ge [sflag:s21], $0x1000  }
0x2a: {  	[sflag:s21] =	ssyncset.done $0x0  }
0x2b: {  	s30 =	simm.s32 $0x280;
	[sflag:s21] =	ssyncadd.s32 $0xFFFFF000  }
0x2c: {  	[tilespmem:s15], [sflag:$0x2] =	stream.indirect.gather [hbm4b:s3+s13], $0x20, s30, s13, $0xb8;
	[tilespmem:$0x13000] =	vst v63  }
0x2d: {  	_ =	swait.ge [sflag:s22], $0x1000  }
0x2e: {  	[sflag:s22] =	ssyncset.done $0x0  }
0x2f: {  	s31 =	simm.s32 $0x300;
	[sflag:s22] =	ssyncadd.s32 $0xFFFFF000  }
0x30: {  	[tilespmem:s17], [sflag:$0x3] =	stream.indirect.gather [hbm4b:s3+s13], $0x20, s31, s13, $0xb8;
	[tilespmem:$0x13000] =	vst v63  }
0x31: {  	_ =	swait.ge [sflag:s23], $0x1000  }
0x32: {  	[sflag:s23] =	ssyncset.done $0x0  }
0x33: {  	s26 =	simm.s32 $0x380;
	s25 =	simm.s32 $0xFFFF7000;
	[sflag:s23] =	ssyncadd.s32 $0xFFFFF000  }
.LBB2_2:
0x34: {  	[tilespmem:s19], [sflag:$0x4] =	stream.indirect.gather [hbm4b:s3+s13], $0x20, s26, s13, $0xb8;
	[tilespmem:$0x13000] =	vst v63  }
0x35: {  	s26 =	smov.u32 s25  }
0x36: {  	p0 =	sne.s32 s25, $0xFFFFF800;
	s25 =	sadd.s32 $0x800, s25;
	_ =	swait.ge [sflag:s20], $0x1000  }
0x37: {  	s26 =	sshra.s32 s26, $0x2;
	[sflag:s20] =	ssyncset.done $0x0  }
0x38: {  	s28 =	sadd.s32 $0x2800, s26;
	[sflag:s20] =	ssyncadd.s32 $0xFFFFF000  }
0x39: {  	[tilespmem:s14], [sflag:$0x1] =	stream.indirect.gather [hbm4b:s3+s13], $0x20, s28, s13, $0xb8;
	[tilespmem:$0x13000] =	vst v63  }
0x3a: {  	_ =	swait.ge [sflag:s21], $0x1000  }
0x3b: {  	[sflag:s21] =	ssyncset.done $0x0  }
0x3c: {  	s28 =	sadd.s32 $0x2880, s26;
	[sflag:s21] =	ssyncadd.s32 $0xFFFFF000  }
0x3d: {  	[tilespmem:s15], [sflag:$0x2] =	stream.indirect.gather [hbm4b:s3+s13], $0x20, s28, s13, $0xb8;
	[tilespmem:$0x13000] =	vst v63  }
0x3e: {  	_ =	swait.ge [sflag:s22], $0x1000  }
0x3f: {  	[sflag:s22] =	ssyncset.done $0x0  }
.Ltmp0:
0x40: {  	s28 =	sadd.s32 $0x2900, s26;
	[sflag:s22] =	ssyncadd.s32 $0xFFFFF000;
	(pc) =	sbr.rel @p0 .LBB2_2-.Ltmp0, $4  }
0x41: {  	[tilespmem:s17], [sflag:$0x3] =	stream.indirect.gather [hbm4b:s3+s13], $0x20, s28, s13, $0xb8;
	[tilespmem:$0x13000] =	vst v63  }
0x42: {  	_ =	swait.ge [sflag:s23], $0x1000  }
0x43: {  	[sflag:s23] =	ssyncset.done $0x0  }
0x44: {  	s26 =	sadd.s32 $0x2980, s26;
	[sflag:s23] =	ssyncadd.s32 $0xFFFFF000  }
0x45: {  	[tilespmem:s19], [sflag:$0x4] =	stream.indirect.gather [hbm4b:s3+s13], $0x20, s26, s13, $0xb8;
	[tilespmem:$0x13000] =	vst v63  }
0x46: {  	_ =	swait.ge [sflag:s20], $0x1000  }
0x47: {  	[sflag:s20] =	ssyncset.done $0x0  }
0x48: {  	[sflag:s20] =	ssyncadd.s32 $0xFFFFF000  }
0x49: {  	_ =	swait.ge [sflag:s21], $0x1000  }
0x4a: {  	[sflag:s21] =	ssyncset.done $0x0  }
0x4b: {  	[sflag:s21] =	ssyncadd.s32 $0xFFFFF000  }
0x4c: {  	_ =	swait.ge [sflag:s22], $0x1000  }
0x4d: {  	[sflag:s22] =	ssyncset.done $0x0  }
0x4e: {  	[sflag:s22] =	ssyncadd.s32 $0xFFFFF000  }
0x4f: {  	_ =	swait.ge [sflag:s23], $0x1000  }
0x50: {  	s24 =	sadd.s32 $0x1, s24;
	[sflag:s23] =	ssyncset.done $0x0  }
0x51: {  	p0 =	sne.s32 s24, s9;
	[sflag:s23] =	ssyncadd.s32 $0xFFFFF000  }
.Ltmp1:
0x52: {  	[bflag:$0x0] =	sbarrier.arrive $0xFFFF;
	(pc) =	sbr.rel @p0 .LBB2_1-.Ltmp1, $4  }
0x53: {  	[hbm:s8], [sflag:s5] =	dma.local [spmem:s10], $0x1400  }
0x54: {  	_ =	swait.ge [sflag:s11], $0x1400  }
0x55: {  	[sflag:s11] =	ssyncset.done $0x0  }
0x56: {  	[sflag:s11] =	ssyncadd.s32 $0xFFFFEC00  }
0x57: {  	_ =	sfence.sel $0x180000  }
0x58: {  	[bflag:$0x0] =	sbarrier.arrive $0xFFFF  }
0x59: {  	p0 =	sne.s32 s0, $0x0;
	_ =	strace $0x9000004A  }
0x5a: {  	s0 =	sadd.s32 @!p0 $0x100000, s1;
	[bflag:$0x2] =	sbarrier.arrive $0xFFFF  }
0x5b: {  	[sflag:s0] =	ssyncadd.tile.s32 @!p0 $0x1;
	_ =	shalt  }
.Lfunc_end2:
_tile_overlayer_lowered:
.L_overlay_start_2:
0x5c: {  	(tag) =	ssettag $0x2  }
0x5d: {  	s0 =	rddreg [dreg:$0x0];
	s2 =	stileid.u32  }
0x5e: {  	s1 =	rddreg [dreg:$0x1];
	p0 =	sne.s32 s2, $0x0  }
0x5f: {  	s3 =	rddreg [dreg:$0x2];
	[bflag:$0x3] =	sbarrier.arrive $0xFFFF;
	s2 =	simm.s32 @!p0 $0x1C05  }
0x60: {  	[timem:s3], [sflag:s2] =	dma.local @!p0 [hbm:s0], s1  }
0x61: {  	s0 =	simm.s32 @!p0 $0x5  }
0x62: {  	_ =	swait.ge @!p0 [sflag:s0], s1  }
0x63: {  	s1 =	ssub.s32 @!p0 $0x0, s1;
	[sflag:s0] =	ssyncset.done @!p0 $0x0  }
0x64: {  	[sflag:s0] =	ssyncadd.s32 @!p0 s1  }
0x65: {  	[bflag:$0x3] =	sbarrier.arrive $0xFFFF  }
0x66: {  	_ =	shalt  }

// kernel: kernel.7.cloned.1.call-start
scs
__scs_entry_jumppad:
0x0: {  	(pc) =	sbr.rel $0x88, $3  }
0x1: {  	(tag) =	ssettag $0x0;
	lr =	simm.s32 $0x1  }
0x2: {  	[smem:$0x3F94] =	sst lr;
	_ =	strace $0xD0000000  }
0x3: {  	_ = 	snop  }
0x4: {  	_ = 	snop  }
0x5: {  	_ = 	snop  }
0x6: {  	_ = 	snop  }
0x7: {  	_ = 	snop  }
__scs_overlays_trampoline_lowered:
0x8: {  	[smem:$0x3FA3] =	sst s0  }
0x9: {  	[smem:$0x3FA4] =	sst s1  }
0xa: {  	[smem:$0x3FA5] =	sst s2  }
0xb: {  	[smem:$0x3FA6] =	sst s3  }
0xc: {  	[smem:$0x3FA7] =	sst s4  }
0xd: {  	[smem:$0x3FA8] =	sst s5  }
0xe: {  	[smem:$0x3FA9] =	sst s6  }
0xf: {  	[smem:$0x3FAA] =	sst s7  }
0x10: {  	[smem:$0x3FAB] =	sst s8  }
0x11: {  	[smem:$0x3FAC] =	sst s9;
	s0 =	simm.s32 @!p0 $0x0  }
0x12: {  	s1 =	sld [smem:$0x3F92];
	s0 =	simm.s32 @p0 $0x1  }
0x13: {  	[smem:$0x3FAD] =	sst s0;
	s0 =	simm.s32 @!p1 $0x0  }
0x14: {  	s2 =	sld [smem:$0x3F91];
	s0 =	simm.s32 @p1 $0x1  }
0x15: {  	[smem:$0x3FAE] =	sst s0;
	s0 =	simm.s32 @!p2 $0x0  }
0x16: {  	s3 =	sld [smem:$0x3FDB];
	s0 =	simm.s32 @p2 $0x1  }
0x17: {  	s4 =	simm.s32 $0x1BF5;
	[smem:$0x3FB0] =	sst s0  }
0x18: {  	s0 =	sld [smem:$0x3F93];
	_ =	swait.ge [sflag:s4], $0x0  }
0x19: {  	s7 =	sld [smem:$0x3F94]  }
0x1a: {  	s8 =	sadd.s32 $0xFFFFE003, lr  }
0x1b: {  	s9 =	sadd.s32 $0xFFFFFEF7, lr;
	s5 =	simm.s32 $0xFFFFFFFF;
	p2 =	slt.u32 s8, $0xFFFFF086  }
0x1c: {  	p1 =	slt.u32 s9, $0xF7A;
	s5 =	simm.s32 @!p2 $0x0  }
0x1d: {  	s5 =	simm.s32 @p1 $0x1;
	p0 =	seq.s32 s7, s2  }
0x1e: {  	s7 =	smul.u32 @!p0 $0xF7A, s2;
	p2 =	seq.s32 @!p0 s5, $0x0  }
0x1f: {  	s9 =	smul.u32 $0xF7A, s1;
	s8 =	simm.s32 @!p0 $0x1BF5;
	p2 =	por !p2, p0  }
0x20: {  	[sflag:s8] =	ssyncset.s32 @!p0 $0xFFFFF086;
	s6 =	sadd.s32 @!p0 s3, s7;
	s7 =	simm.s32 @!p0 $0x108  }
0x21: {  	s3 =	sadd.s32 s3, s9;
	s6 =	sadd.s32 @!p0 $0x88, s6;
	s7 =	simm.s32 @p2 $0x1082  }
0x22: {  	[simem:s7], [sflag:s8] =	dma.local @!p0 [hbm:s6], $0xF7A  }
0x23: {  	s9 =	sor.u32 $0xD0000000, s2;
	s6 =	simm.s32 $0x108;
	_ =	swait.ge @!p0 [sflag:s8], $0x0  }
0x24: {  	s3 =	sadd.s32 $0x88, s3;
	s6 =	simm.s32 @!p1 $0x1082;
	[sflag:s4] =	ssyncset.s32 $0xFFFFF086  }
0x25: {  	[simem:s6], [sflag:s4] =	dma.local [hbm:s3], $0xF7A  }
0x26: {  	[smem:$0x3F94] =	sst s1;
	(tag) =	ssettag s2;
	_ =	strace s9  }
0x27: {  	s1 =	sld [smem:$0x3FA4]  }
0x28: {  	s2 =	sld [smem:$0x3FA5]  }
0x29: {  	s4 =	sld [smem:$0x3FA7]  }
0x2a: {  	p0 =	seq.s32 s5, $0x0;
	s5 =	sld [smem:$0x3FA8]  }
0x2b: {  	s6 =	sld [smem:$0x3FA9]  }
0x2c: {  	s7 =	sld [smem:$0x3FAA]  }
0x2d: {  	s3 =	simm.s32 $0x108;
	s8 =	sld [smem:$0x3FAB]  }
0x2e: {  	s3 =	simm.s32 @!p0 $0x1082;
	s9 =	sld [smem:$0x3FAC]  }
0x2f: {  	lr =	sadd.s32 s0, s3;
	s0 =	sld [smem:$0x3FA3]  }
0x30: {  	s3 =	sld [smem:$0x3FA6]  }
0x31: {  	[smem:$0x3FAF] =	sst s10  }
0x32: {  	s10 =	sld [smem:$0x3FAD];
	_ =	sdelay $0x3  }
0x33: {  	p0 =	seq.s32 s10, $0x1;
	s10 =	sld [smem:$0x3FAF];
	_ =	sdelay $0x3  }
0x34: {  	[smem:$0x3FAF] =	sst s10  }
0x35: {  	s10 =	sld [smem:$0x3FAE];
	_ =	sdelay $0x3  }
0x36: {  	p1 =	seq.s32 s10, $0x1;
	s10 =	sld [smem:$0x3FAF];
	_ =	sdelay $0x3  }
0x37: {  	[smem:$0x3FAF] =	sst s10  }
0x38: {  	s10 =	sld [smem:$0x3FB0]  }
0x39: {  	_ = 	snop;
	(pc) =	sbr.ind lr, $3  }
0x3a: {  	_ = 	snop  }
0x3b: {  	_ = 	snop  }
0x3c: {  	p2 =	seq.s32 s10, $0x1;
	s10 =	sld [smem:$0x3FAF]  }
0x3d: {  	_ =	shalt  }
0x3e: {  	_ =	shalt  }
0x3f: {  	_ =	shalt  }
0x40: {  	_ =	shalt  }
0x41: {  	_ =	shalt  }
0x42: {  	_ =	shalt  }
0x43: {  	_ =	shalt  }
0x44: {  	_ =	shalt  }
0x45: {  	_ =	shalt  }
0x46: {  	_ =	shalt  }
0x47: {  	_ =	shalt  }
0x48: {  	_ =	shalt  }
0x49: {  	_ =	shalt  }
0x4a: {  	_ =	shalt  }
0x4b: {  	_ =	shalt  }
0x4c: {  	_ =	shalt  }
0x4d: {  	_ =	shalt  }
0x4e: {  	_ =	shalt  }
0x4f: {  	_ =	shalt  }
0x50: {  	_ =	shalt  }
0x51: {  	_ =	shalt  }
0x52: {  	_ =	shalt  }
0x53: {  	_ =	shalt  }
0x54: {  	_ =	shalt  }
0x55: {  	_ =	shalt  }
0x56: {  	_ =	shalt  }
0x57: {  	_ =	shalt  }
0x58: {  	_ =	shalt  }
0x59: {  	_ =	shalt  }
0x5a: {  	_ =	shalt  }
0x5b: {  	_ =	shalt  }
0x5c: {  	_ =	shalt  }
0x5d: {  	_ =	shalt  }
0x5e: {  	_ =	shalt  }
0x5f: {  	_ =	shalt  }
0x60: {  	_ =	shalt  }
0x61: {  	_ =	shalt  }
0x62: {  	_ =	shalt  }
0x63: {  	_ =	shalt  }
0x64: {  	_ =	shalt  }
0x65: {  	_ =	shalt  }
0x66: {  	_ =	shalt  }
0x67: {  	_ =	shalt  }
0x68: {  	_ =	shalt  }
0x69: {  	_ =	shalt  }
0x6a: {  	_ =	shalt  }
0x6b: {  	_ =	shalt  }
0x6c: {  	_ =	shalt  }
0x6d: {  	_ =	shalt  }
0x6e: {  	_ =	shalt  }
0x6f: {  	_ =	shalt  }
0x70: {  	_ =	shalt  }
0x71: {  	_ =	shalt  }
0x72: {  	_ =	shalt  }
0x73: {  	_ =	shalt  }
0x74: {  	_ =	shalt  }
0x75: {  	_ =	shalt  }
0x76: {  	_ =	shalt  }
0x77: {  	_ =	shalt  }
0x78: {  	_ =	shalt  }
0x79: {  	_ =	shalt  }
0x7a: {  	_ =	shalt  }
0x7b: {  	_ =	shalt  }
0x7c: {  	_ =	shalt  }
0x7d: {  	_ =	shalt  }
0x7e: {  	_ =	shalt  }
0x7f: {  	_ =	shalt  }
0x80: {  	_ =	shalt  }
0x81: {  	_ =	shalt  }
0x82: {  	_ =	shalt  }
0x83: {  	_ =	shalt  }
0x84: {  	_ =	shalt  }
0x85: {  	_ =	shalt  }
0x86: {  	_ =	shalt  }
0x87: {  	_ =	shalt  }
.Lfunc_end0:
.L_simem_size_0:
called_computation_lowered:
.L_overlay_start_0:
0x88: {  	s2 =	sld [smem:$0x3FD9]  }
0x89: {  	s3 =	sld [smem:$0x3FFE];
	_ =	sdelay $0x1  }
0x8a: {  	s1 =	srdreg.scid  }
0x8b: {  	s0 =	sand.u32 $0x1, s1  }
0x8c: {  	s16 =	sshll.u32 s0, $0xA;
	s2 =	sadd.s32 s3, s2  }
0x8d: {  	s2 =	sadd.s32 s2, s16  }
0x8e: {  	[smem:$0x3FBB] =	sst s2  }
0x8f: {  	_ = 	snop  }
0x90: {  	(tm) =	ssettm $0x1  }
0x91: {  	s17 =	sld [smem:$0x3FFB];
	_ =	sdelay $0x3  }
0x92: {  	_ =	strace s17  }
0x93: {  	s2 =	sld [smem:$0x3FFC];
	_ =	sdelay $0x3  }
0x94: {  	_ =	strace s2  }
0x95: {  	s2 =	sld [smem:$0x3FFD];
	_ =	sdelay $0x3  }
0x96: {  	_ =	strace s2  }
0x97: {  	_ =	strace $0x8FFFFFFF  }
0x98: {  	s18 =	sld [smem:$0x3FDB];
	_ =	sdelay $0x1  }
0x99: {  	s19 =	simm.s32 $_scs_section_size  }
0x9a: {  	s4 =	simm.s32 $_size__tile_overlayer_lowered;
	s5 =	simm.s32 $_tile_overlayer_lowered  }
0x9b: {  	s22 =	simm.s32 $0x1BFF;
	s21 =	sshll.u32 s5, $0x1;
	s2 =	sadd.s32 s19, s18  }
0x9c: {  	s6 =	simm.s32 $0x0;
	s20 =	sshll.u32 s4, $0x1;
	s4 =	sadd.s32 s21, s2  }
0x9d: {  	[timem:s6], [sflag:s22] =	dma.local [hbm:s4], s20  }
0x9e: {  	_ =	swait.ge [sflag:s22], s20  }
0x9f: {  	s3 =	ssub.s32 $0x0, s20;
	[sflag:s22] =	ssyncset.done $0x0  }
0xa0: {  	[sflag:s22] =	ssyncadd.s32 s3;
	_ =	sdelay $0x1  }
0xa1: {  	s23 =	simm.s32 $0x1B8B  }
0xa2: {  	_ =	swait.ge [sflag:s23], $0x1  }
0xa3: {  	[sflag:s23] =	ssyncset.done $0x0  }
0xa4: {  	s25 =	simm.s32 $0x1B8E;
	s24 =	sld [smem:$0x3FFE];
	[sflag:s23] =	ssyncadd.s32 $0xFFFFFFFF  }
0xa5: {  	s26 =	simm.s32 $execute0_lowered;
	[smem:$0x3FD2] =	sst s25  }
0xa6: {  	s4 =	sshll.u32 s26, $0x1;
	_ =	strace $0x80000046;
	[dreg:$0x1] =	wrdreg $0xFFFFFFFF  }
0xa7: {  	s28 =	simm.s32 $_size_execute0_lowered;
	s2 =	sadd.s32 s2, s4;
	[dreg:$0x0] =	wrdreg $0x0  }
0xa8: {  	s4 =	sshll.u32 s28, $0x1;
	[dreg:$0x2] =	wrdreg s2  }
0xa9: {  	[dreg:$0x3] =	wrdreg s4  }
0xaa: {  	[dreg:$0x4] =	wrdreg $0xC0  }
0xab: {  	_ =	task [dreg:s6], $0x5FFFF  }
0xac: {  	[dreg:$0x1] =	wrdreg $0xFFFFFFFF  }
0xad: {  	[dreg:$0x0] =	wrdreg $0x60  }
0xae: {  	[dreg:$0x2] =	wrdreg s24  }
0xaf: {  	[dreg:$0x3] =	wrdreg $0x90000  }
0xb0: {  	[dreg:$0x4] =	wrdreg $0x9  }
0xb1: {  	_ =	task.clear_ibuf [dreg:s6], $0x5FFFF;
	_ =	strace $0x90000046  }
0xb2: {  	s29 =	simm.s32 $0x9;
	_ =	strace $0x80000048  }
0xb3: {  	_ =	swait.ge [sflag:s29], $0x1  }
0xb4: {  	[sflag:s29] =	ssyncadd.s32 $0xFFFFFFFF  }
0xb5: {  	_ =	strace $0x90000048  }
0xb6: {  	_ =	sfence  }
0xb7: {  	s30 =	sld [smem:$0x0];
	_ =	sdelay $0x2  }
0xb8: {  	s31 =	sshll.u32 s1, $0xD;
	s1 =	sshrl.u32 s1, $0x2  }
0xb9: {  	s3 =	sand.u32 $0x4000, s31;
	s1 =	sadd.s32 s1, s30  }
0xba: {  	s0 =	sor.u32 s3, s0;
	s1 =	sshll.u32 s1, $0x11  }
0xbb: {  	s0 =	sor.u32 s1, s0  }
0xbc: {  	s0 =	sadd.s32 $0x8F2B, s0  }
0xbd: {  	[sflag:s0] =	ssyncadd.remote.s32 $0x1  }
0xbe: {  	_ =	sfence.sel $0xFFFF  }
0xbf: {  	[dreg:$0x0] =	wrdreg $0xFFFFFFFF;
	(pc) =	sbr.abs _section_cstart, $3  }
0xc0: {  	[dreg:$0x1] =	wrdreg $0xFFFFFFFF  }
0xc1: {  	_ =	task.clear_ibuf [dreg:s6], $0x2FFFF;
	_ =	strace $0x9FFFFFFF  }
0xc2: {  	(tm) =	ssettm $0x7FFFFFFF  }
0xc3: {  	_ =	shalt  }
tec
execute0_lowered:
.L_overlay_start_1:
0x0: {  	(tag) =	ssettag $0x1  }
0x1: {  	s1 =	srdreg.scid;
	s5 =	rddreg [dreg:$0x0]  }
0x2: {  	s0 =	stileid.u32;
	s7 =	rddreg [dreg:$0x1];
	s2 =	simm.s32 $0x0  }
0x3: {  	s13 =	simm.s32 $0x80;
	s14 =	simm.s32 $0x5000;
	s15 =	simm.s32 $0x6000  }
0x4: {  	s16 =	simm.s32 $0x100;
	s17 =	simm.s32 $0x7000;
	s18 =	simm.s32 $0x180  }
0x5: {  	s19 =	simm.s32 $0x8000;
	s20 =	simm.s32 $0x1;
	s21 =	simm.s32 $0x2  }
0x6: {  	s22 =	simm.s32 $0x3;
	s23 =	simm.s32 $0x4;
	s24 =	simm.s32 $0x0  }
0x7: {  	s4 =	sand.u32 $0x1, s1;
	s26 =	sshll.u32 s0, $0x1;
	s8 =	smul.u32 $0xA000, s0  }
0x8: {  	s9 =	smul.u32 $0x1400, s0;
	[smem:$0x7FF] =	sst s2;
	s3 =	sadd.s32 $0x1600, s5  }
0x9: {  	s31 =	sshll.u32 s0, $0x6;
	s1 =	sor.u32 s4, s26;
	s10 =	smul.u32 $0x14000, s4  }
0xa: {  	s4 =	ssub.s32 $0x2, s4;
	s6 =	smul.u32 $0x500, s1;
	s1 =	rddreg [dreg:$0x2]  }
0xb: {  	_ =	strace $0x80000047;
	s28 =	sshrl.u32 s8, $0x3;
	s29 =	sshrl.u32 s4, $0x1  }
0xc: {  	s12 =	sadd.s32 s8, s7;
	s9 =	sadd.s32 s9, s10;
	s30 =	ssub.s32 s4, s29  }
0xd: {  	s10 =	sshrl.u32 s12, $0x3;
	s12 =	simm.s32 $0x2800;
	s11 =	sadd.s32 s6, s5  }
0xe: {  	s6 =	sadd.s32 s28, s5;
	s9 =	sadd.s32 s9, s5;
	s5 =	sor.u32 $0x1C05, s31  }
0xf: {  	s4 =	sadd.s32 $0x1F400, s6;
	s6 =	sadd.s32 $0xB400, s11;
	s7 =	sadd.s32 $0x15400, s11  }
0x10: {  	s8 =	sadd.s32 $0x33400, s9;
	s9 =	smax.u32 s30, $0x1;
	s11 =	simm.s32 $0x5  }
.LBB2_1:
0x11: {  	[spmem:s10], [sflag:s5] =	dma.local [hbm:s4], $0x1400  }
0x12: {  	_ =	swait.ge [sflag:s11], $0x1400  }
0x13: {  	[sflag:s11] =	ssyncset.done $0x0  }
0x14: {  	[sflag:s11] =	ssyncadd.s32 $0xFFFFEC00  }
0x15: {  	[tilespmem:s2], [sflag:$0x5] =	stream.linear.gather [hbm4b:s6+s2], $0x2800, $0x38;
	[tilespmem:$0x13000] =	vst v63  }
0x16: {  	_ =	swait.ge [sflag:s11], $0x2800  }
0x17: {  	[sflag:s11] =	ssyncset.done $0x0  }
0x18: {  	[sflag:s11] =	ssyncadd.s32 $0xFFFFD800  }
0x19: {  	[tilespmem:s12], [sflag:$0x5] =	stream.linear.gather [hbm4b:s7+s2], $0x2800, $0x38;
	[tilespmem:$0x13000] =	vst v63  }
0x1a: {  	_ =	swait.ge [sflag:s11], $0x2800  }
0x1b: {  	[sflag:s11] =	ssyncset.done $0x0  }
0x1c: {  	[sflag:s11] =	ssyncadd.s32 $0xFFFFD800  }
0x1d: {  	[bflag:$0x0] =	sbarrier.arrive $0xFFFF  }
0x1e: {  	[tilespmem:s14], [sflag:$0x1] =	stream.indirect.gather [hbm4b:s3+s13], $0x20, s2, s13, $0xb8;
	[tilespmem:$0x13000] =	vst v63  }
0x1f: {  	_ = 	snop  }
0x20: {  	[tilespmem:s15], [sflag:$0x2] =	stream.indirect.gather [hbm4b:s3+s13], $0x20, s13, s13, $0xb8;
	[tilespmem:$0x13000] =	vst v63  }
0x21: {  	_ = 	snop  }
0x22: {  	[tilespmem:s17], [sflag:$0x3] =	stream.indirect.gather [hbm4b:s3+s13], $0x20, s16, s13, $0xb8;
	[tilespmem:$0x13000] =	vst v63  }
0x23: {  	_ = 	snop  }
0x24: {  	[tilespmem:s19], [sflag:$0x4] =	stream.indirect.gather [hbm4b:s3+s13], $0x20, s18, s13, $0xb8;
	[tilespmem:$0x13000] =	vst v63  }
0x25: {  	_ =	swait.ge [sflag:s20], $0x1000  }
0x26: {  	[sflag:s20] =	ssyncset.done $0x0  }
0x27: {  	s25 =	simm.s32 $0x200;
	[sflag:s20] =	ssyncadd.s32 $0xFFFFF000  }
0x28: {  	[tilespmem:s14], [sflag:$0x1] =	stream.indirect.gather [hbm4b:s3+s13], $0x20, s25, s13, $0xb8;
	[tilespmem:$0x13000] =	vst v63  }
0x29: {  	_ =	swait.ge [sflag:s21], $0x1000  }
0x2a: {  	[sflag:s21] =	ssyncset.done $0x0  }
0x2b: {  	s30 =	simm.s32 $0x280;
	[sflag:s21] =	ssyncadd.s32 $0xFFFFF000  }
0x2c: {  	[tilespmem:s15], [sflag:$0x2] =	stream.indirect.gather [hbm4b:s3+s13], $0x20, s30, s13, $0xb8;
	[tilespmem:$0x13000] =	vst v63  }
0x2d: {  	_ =	swait.ge [sflag:s22], $0x1000  }
0x2e: {  	[sflag:s22] =	ssyncset.done $0x0  }
0x2f: {  	s31 =	simm.s32 $0x300;
	[sflag:s22] =	ssyncadd.s32 $0xFFFFF000  }
0x30: {  	[tilespmem:s17], [sflag:$0x3] =	stream.indirect.gather [hbm4b:s3+s13], $0x20, s31, s13, $0xb8;
	[tilespmem:$0x13000] =	vst v63  }
0x31: {  	_ =	swait.ge [sflag:s23], $0x1000  }
0x32: {  	[sflag:s23] =	ssyncset.done $0x0  }
0x33: {  	s26 =	simm.s32 $0x380;
	s25 =	simm.s32 $0xFFFF7000;
	[sflag:s23] =	ssyncadd.s32 $0xFFFFF000  }
.LBB2_2:
0x34: {  	[tilespmem:s19], [sflag:$0x4] =	stream.indirect.gather [hbm4b:s3+s13], $0x20, s26, s13, $0xb8;
	[tilespmem:$0x13000] =	vst v63  }
0x35: {  	s26 =	smov.u32 s25  }
0x36: {  	p0 =	sne.s32 s25, $0xFFFFF800;
	s25 =	sadd.s32 $0x800, s25;
	_ =	swait.ge [sflag:s20], $0x1000  }
0x37: {  	s26 =	sshra.s32 s26, $0x2;
	[sflag:s20] =	ssyncset.done $0x0  }
0x38: {  	s28 =	sadd.s32 $0x2800, s26;
	[sflag:s20] =	ssyncadd.s32 $0xFFFFF000  }
0x39: {  	[tilespmem:s14], [sflag:$0x1] =	stream.indirect.gather [hbm4b:s3+s13], $0x20, s28, s13, $0xb8;
	[tilespmem:$0x13000] =	vst v63  }
0x3a: {  	_ =	swait.ge [sflag:s21], $0x1000  }
0x3b: {  	[sflag:s21] =	ssyncset.done $0x0  }
0x3c: {  	s28 =	sadd.s32 $0x2880, s26;
	[sflag:s21] =	ssyncadd.s32 $0xFFFFF000  }
0x3d: {  	[tilespmem:s15], [sflag:$0x2] =	stream.indirect.gather [hbm4b:s3+s13], $0x20, s28, s13, $0xb8;
	[tilespmem:$0x13000] =	vst v63  }
0x3e: {  	_ =	swait.ge [sflag:s22], $0x1000  }
0x3f: {  	[sflag:s22] =	ssyncset.done $0x0  }
.Ltmp0:
0x40: {  	s28 =	sadd.s32 $0x2900, s26;
	[sflag:s22] =	ssyncadd.s32 $0xFFFFF000;
	(pc) =	sbr.rel @p0 .LBB2_2-.Ltmp0, $4  }
0x41: {  	[tilespmem:s17], [sflag:$0x3] =	stream.indirect.gather [hbm4b:s3+s13], $0x20, s28, s13, $0xb8;
	[tilespmem:$0x13000] =	vst v63  }
0x42: {  	_ =	swait.ge [sflag:s23], $0x1000  }
0x43: {  	[sflag:s23] =	ssyncset.done $0x0  }
0x44: {  	s26 =	sadd.s32 $0x2980, s26;
	[sflag:s23] =	ssyncadd.s32 $0xFFFFF000  }
0x45: {  	[tilespmem:s19], [sflag:$0x4] =	stream.indirect.gather [hbm4b:s3+s13], $0x20, s26, s13, $0xb8;
	[tilespmem:$0x13000] =	vst v63  }
0x46: {  	_ =	swait.ge [sflag:s20], $0x1000  }
0x47: {  	[sflag:s20] =	ssyncset.done $0x0  }
0x48: {  	[sflag:s20] =	ssyncadd.s32 $0xFFFFF000  }
0x49: {  	_ =	swait.ge [sflag:s21], $0x1000  }
0x4a: {  	[sflag:s21] =	ssyncset.done $0x0  }
0x4b: {  	[sflag:s21] =	ssyncadd.s32 $0xFFFFF000  }
0x4c: {  	_ =	swait.ge [sflag:s22], $0x1000  }
0x4d: {  	[sflag:s22] =	ssyncset.done $0x0  }
0x4e: {  	[sflag:s22] =	ssyncadd.s32 $0xFFFFF000  }
0x4f: {  	_ =	swait.ge [sflag:s23], $0x1000  }
0x50: {  	s24 =	sadd.s32 $0x1, s24;
	[sflag:s23] =	ssyncset.done $0x0  }
0x51: {  	p0 =	sne.s32 s24, s9;
	[sflag:s23] =	ssyncadd.s32 $0xFFFFF000  }
.Ltmp1:
0x52: {  	[bflag:$0x0] =	sbarrier.arrive $0xFFFF;
	(pc) =	sbr.rel @p0 .LBB2_1-.Ltmp1, $4  }
0x53: {  	[hbm:s8], [sflag:s5] =	dma.local [spmem:s10], $0x1400  }
0x54: {  	_ =	swait.ge [sflag:s11], $0x1400  }
0x55: {  	[sflag:s11] =	ssyncset.done $0x0  }
0x56: {  	[sflag:s11] =	ssyncadd.s32 $0xFFFFEC00  }
0x57: {  	_ =	sfence.sel $0x180000  }
0x58: {  	[bflag:$0x0] =	sbarrier.arrive $0xFFFF  }
0x59: {  	p0 =	sne.s32 s0, $0x0;
	_ =	strace $0x90000047  }
0x5a: {  	s0 =	sadd.s32 @!p0 $0x100000, s1;
	[bflag:$0x2] =	sbarrier.arrive $0xFFFF  }
0x5b: {  	[sflag:s0] =	ssyncadd.tile.s32 @!p0 $0x1;
	_ =	shalt  }
.Lfunc_end2:
_tile_overlayer_lowered:
.L_overlay_start_2:
0x5c: {  	(tag) =	ssettag $0x2  }
0x5d: {  	s0 =	rddreg [dreg:$0x0];
	s2 =	stileid.u32  }
0x5e: {  	s1 =	rddreg [dreg:$0x1];
	p0 =	sne.s32 s2, $0x0  }
0x5f: {  	s3 =	rddreg [dreg:$0x2];
	[bflag:$0x3] =	sbarrier.arrive $0xFFFF;
	s2 =	simm.s32 @!p0 $0x1C05  }
0x60: {  	[timem:s3], [sflag:s2] =	dma.local @!p0 [hbm:s0], s1  }
0x61: {  	s0 =	simm.s32 @!p0 $0x5  }
0x62: {  	_ =	swait.ge @!p0 [sflag:s0], s1  }
0x63: {  	s1 =	ssub.s32 @!p0 $0x0, s1;
	[sflag:s0] =	ssyncset.done @!p0 $0x0  }
0x64: {  	[sflag:s0] =	ssyncadd.s32 @!p0 s1  }
0x65: {  	[bflag:$0x3] =	sbarrier.arrive $0xFFFF  }
0x66: {  	_ =	shalt  }

</sc_bundles>
